<compile_context>
chip_gen: v7x
topology: tpu7x:2x2x1
jax: 0.10.2.dev20260603
libtpu: 0.0.44.dev20260713+nightly
codegen_flags: <defaults>
</compile_context>

<pallas_src>
import functools
import math

import jax
from jax import lax
from jax.experimental import pallas as pl
from jax.experimental.pallas import tpu as pltpu
from jax.experimental.pallas import tpu_sc as plsc

_NUM_CORES = 2
_NUM_SUBCORES = 16
_NUM_WORKERS = _NUM_CORES * _NUM_SUBCORES
_LANE = 128
_CHUNK_TILES = 30
_NUM_BUFS = 2


def _make_sc_copy(n, d, dtype):
    full_tiles = n // _LANE
    per_worker_tiles = full_tiles // _NUM_WORKERS
    rem_tiles = full_tiles % _NUM_WORKERS
    main_chunks, last = divmod(per_worker_tiles, _CHUNK_TILES)
    chunk_tiles = [_CHUNK_TILES] * main_chunks + ([last] if last else [])
    mesh = plsc.VectorSubcoreMesh(
        core_axis_name="c", subcore_axis_name="s",
        num_cores=_NUM_CORES, num_subcores=_NUM_SUBCORES,
    )
    buf_cols = _CHUNK_TILES * _LANE

    @functools.partial(
        pl.kernel,
        out_type=jax.ShapeDtypeStruct((d, n), dtype),
        mesh=mesh,
        scratch_types=(
            tuple(pltpu.VMEM((d, buf_cols), dtype) for _ in range(_NUM_BUFS)),
            pltpu.SemaphoreType.DMA((_NUM_BUFS,)),
            pltpu.SemaphoreType.DMA((_NUM_BUFS,)),
        ),
    )
    def sc_copy(x_hbm, o_hbm, bufs, sem_in, sem_out):
        wid = lax.axis_index("s") * _NUM_CORES + lax.axis_index("c")
        base = pl.multiple_of(wid * (per_worker_tiles * _LANE), _LANE)
        nb = _NUM_BUFS
        tasks = []
        off = 0
        for t in chunk_tiles:
            tasks.append((off, t * _LANE))
            off += t * _LANE
        n_t = len(tasks)

        def start_in(j):
            off, cols = tasks[j]
            c = pltpu.make_async_copy(
                x_hbm.at[:, pl.ds(base + off, cols)],
                bufs[j % nb].at[:, pl.ds(0, cols)], sem_in.at[j % nb])
            c.start()
            return c

        def start_out(j):
            off, cols = tasks[j]
            c = pltpu.make_async_copy(
                bufs[j % nb].at[:, pl.ds(0, cols)],
                o_hbm.at[:, pl.ds(base + off, cols)], sem_out.at[j % nb])
            c.start()
            return c

        in_d = [None] * n_t
        out_d = [None] * n_t
        for j in range(min(nb - 1, n_t)):
            in_d[j] = start_in(j)
        for j in range(n_t):
            k = j + nb - 1
            if k < n_t:
                if j >= 1:
                    out_d[j - 1].wait()
                in_d[k] = start_in(k)
            in_d[j].wait()
            out_d[j] = start_out(j)
        for j in range(max(0, n_t - nb), n_t):
            out_d[j].wait()

        if rem_tiles:
            rem_base = per_worker_tiles * _NUM_WORKERS * _LANE

            @pl.when(wid < rem_tiles)
            def _():
                toff = pl.multiple_of(rem_base + wid * _LANE, _LANE)
                cin = pltpu.make_async_copy(
                    x_hbm.at[:, pl.ds(toff, _LANE)],
                    bufs[0].at[:, pl.ds(0, _LANE)], sem_in.at[0])
                cin.start()
                cin.wait()
                cout = pltpu.make_async_copy(
                    bufs[0].at[:, pl.ds(0, _LANE)],
                    o_hbm.at[:, pl.ds(toff, _LANE)], sem_out.at[0])
                cout.start()
                cout.wait()

    return sc_copy


_TC_CHUNK_TILES = 651
_TC_NBUF = 3


def _make_tc_copy(n, d, dtype):
    full_tiles = n // _LANE
    chunk_tiles = [_TC_CHUNK_TILES] * (full_tiles // _TC_CHUNK_TILES)
    if full_tiles % _TC_CHUNK_TILES:
        chunk_tiles.append(full_tiles % _TC_CHUNK_TILES)
    buf_cols = _TC_CHUNK_TILES * _LANE
    nb = _TC_NBUF

    def tc_body(x_hbm, o_hbm, *rest):
        bufs, sem_in, sem_out = rest[:nb], rest[nb], rest[nb + 1]
        tasks = []
        off = 0
        for t in chunk_tiles:
            tasks.append((off, t * _LANE))
            off += t * _LANE
        n_t = len(tasks)

        def start_in(j):
            off, cols = tasks[j]
            c = pltpu.make_async_copy(
                x_hbm.at[:, pl.ds(off, cols)],
                bufs[j % nb].at[:, pl.ds(0, cols)], sem_in.at[j % nb])
            c.start()
            return c

        def start_out(j):
            off, cols = tasks[j]
            c = pltpu.make_async_copy(
                bufs[j % nb].at[:, pl.ds(0, cols)],
                o_hbm.at[:, pl.ds(off, cols)], sem_out.at[j % nb])
            c.start()
            return c

        in_d = [None] * n_t
        out_d = [None] * n_t
        for j in range(min(nb - 1, n_t)):
            in_d[j] = start_in(j)
        for j in range(n_t):
            k = j + nb - 1
            if k < n_t:
                if j >= 1:
                    out_d[j - 1].wait()
                in_d[k] = start_in(k)
            in_d[j].wait()
            out_d[j] = start_out(j)
        for j in range(max(0, n_t - nb), n_t):
            out_d[j].wait()

    return pl.pallas_call(
        tc_body,
        in_specs=[pl.BlockSpec(memory_space=pltpu.MemorySpace.HBM)],
        out_specs=pl.BlockSpec(memory_space=pltpu.MemorySpace.HBM),
        out_shape=jax.ShapeDtypeStruct((d, n), dtype),
        scratch_shapes=(
            [pltpu.VMEM((d, buf_cols), dtype) for _ in range(nb)]
            + [pltpu.SemaphoreType.DMA((nb,)), pltpu.SemaphoreType.DMA((nb,))]
        ),
        compiler_params=pltpu.CompilerParams(skip_device_barrier=True),
    )


def kernel(user_emb, item_emb):
    n, d = user_emb.shape
    ut, it = user_emb.T, item_emb.T
    ou = _make_sc_copy(n, d, user_emb.dtype)(ut)
    oi = _make_tc_copy(n, d, item_emb.dtype)(it)
    n_main = (n // _LANE) * _LANE
    if n_main != n:
        ou = lax.dynamic_update_slice(
            ou, lax.slice(ut, (0, n_main), (d, n)), (0, n_main))
        oi = lax.dynamic_update_slice(
            oi, lax.slice(it, (0, n_main), (d, n)), (0, n_main))
    return (ou.T, oi.T)

# --- scband reference (transcript-rebuilt; emitter-appended) ---
"""Pipeline reference for scband-mlpstudent-63763084477186 (READ-ONLY COPY).

The authoritative reference and input builder live on the scoring server;
editing this copy changes nothing except your own understanding.
"""

import jax, jax.numpy as jnp
import numpy as np

N_USERS = 1000000
N_ITEMS = 1000000
EMB_SIZE = 16

def setup_inputs(seed: int = 0) -> dict:
    key = jax.random.key(seed)
    k1, k2 = jax.random.split(key)
    # Xavier-uniform init for embedding tables, matching nn.init.xavier_uniform_
    limit_u = float(np.sqrt(6.0 / (N_USERS + EMB_SIZE)))
    limit_i = float(np.sqrt(6.0 / (N_ITEMS + EMB_SIZE)))
    user_emb = jax.random.uniform(k1, (N_USERS, EMB_SIZE), dtype=jnp.float32, minval=-limit_u, maxval=limit_u)
    item_emb = jax.random.uniform(k2, (N_ITEMS, EMB_SIZE), dtype=jnp.float32, minval=-limit_i, maxval=limit_i)
    return {"user_emb": user_emb, "item_emb": item_emb}

def reference(user_emb, item_emb):
    # MLPStudent.forward() simply returns both embedding weight tables.
    return (user_emb, item_emb)

if __name__ == "__main__":
    import jax
    _d = setup_inputs()
    print(jax.jit(kernel)(*tuple(_d.values())))

</pallas_src>

<mosaic_0001>
#map = affine_map<(d0, d1) -> (0, 0)>
module attributes {stable_mosaic.version = 14 : i64} {
  func.func @sc_copy(%arg0: i32, %arg1: i32, %arg2: memref<16x1000000xf32, #tpu.memory_space<hbm>>, %arg3: memref<16x1000000xf32, #tpu.memory_space<hbm>>, %arg4: memref<16x3840xf32, #tpu.memory_space<vmem>>, %arg5: memref<16x3840xf32, #tpu.memory_space<vmem>>, %arg6: memref<2x!tpu.dma_semaphore, #tpu.memory_space<semaphore_mem>>, %arg7: memref<2x!tpu.dma_semaphore, #tpu.memory_space<semaphore_mem>>) attributes {dimension_semantics = [#tpu.dimension_semantics<core_parallel>, #tpu.dimension_semantics<subcore_parallel>], iteration_bounds = array<i64: 2, 16>, scalar_prefetch = 0 : i64, scratch_operands = 4 : i64, tpu.core_type = #tpu.core_type<sc_vector_subcore>, window_params = [{transform_indices = #map}, {transform_indices = #map}]} {
    %mul3A = arith.constant 2 : i32
    %mul3A_0 = arith.muli %arg1, %mul3A : i32
    %add3A = arith.addi %mul3A_0, %arg0 : i32
    %mul3A_1 = arith.constant 31232 : i32
    %mul3A_2 = arith.muli %add3A, %mul3A_1 : i32
    %multiple_of3A = tpu.assume_multiple %mul3A_2, 128 : i32
    %add3A_3 = arith.constant 0 : i32
    %add3A_4 = arith.addi %multiple_of3A, %add3A_3 : i32
    %dma_start3A = arith.constant 0 : i32
    %dma_start3A_5 = arith.constant 0 : i32
    %dma_start3A_6 = arith.constant 0 : i32
    %dma_start3A_7 = tpu.memref_slice %arg4[%dma_start3A_5, %dma_start3A_6] : memref<16x3840xf32, #tpu.memory_space<vmem>> -> memref<16x3840xf32, #tpu.memory_space<vmem>>
    %dma_start3A_8 = arith.constant 0 : i32
    %dma_start3A_9 = tpu.memref_slice %arg2[%dma_start3A_8, %add3A_4] : memref<16x1000000xf32, #tpu.memory_space<hbm>> -> memref<16x3840xf32, #tpu.memory_space<hbm>>
    %dma_start3A_10 = tpu.memref_slice %arg6[%dma_start3A] : memref<2x!tpu.dma_semaphore, #tpu.memory_space<semaphore_mem>> -> memref<1x!tpu.dma_semaphore, #tpu.memory_space<semaphore_mem>>
    %dma_start3A_11 = tpu.memref_squeeze %dma_start3A_10 : memref<1x!tpu.dma_semaphore, #tpu.memory_space<semaphore_mem>> -> memref<!tpu.dma_semaphore, #tpu.memory_space<semaphore_mem>>
    %dma_start3A_12 = arith.constant 0 : i32
    %dma_start3A_13 = arith.constant 0 : i32
    %dma_start3A_14 = tpu.memref_slice %arg4[%dma_start3A_12, %dma_start3A_13] : memref<16x3840xf32, #tpu.memory_space<vmem>> -> memref<16x3840xf32, #tpu.memory_space<vmem>>
    %dma_start3A_15 = arith.constant 0 : i32
    %dma_start3A_16 = tpu.memref_slice %arg2[%dma_start3A_15, %add3A_4] : memref<16x1000000xf32, #tpu.memory_space<hbm>> -> memref<16x3840xf32, #tpu.memory_space<hbm>>
    tpu.enqueue_dma source(%dma_start3A_16 : memref<16x3840xf32, #tpu.memory_space<hbm>>) target(%dma_start3A_14 : memref<16x3840xf32, #tpu.memory_space<vmem>>) target_semaphore(%dma_start3A_11 : memref<!tpu.dma_semaphore, #tpu.memory_space<semaphore_mem>>)
    %add3A_17 = arith.constant 3840 : i32
    %add3A_18 = arith.addi %multiple_of3A, %add3A_17 : i32
    %dma_start3A_19 = arith.constant 1 : i32
    %dma_start3A_20 = arith.constant 0 : i32
    %dma_start3A_21 = arith.constant 0 : i32
    %dma_start3A_22 = tpu.memref_slice %arg5[%dma_start3A_20, %dma_start3A_21] : memref<16x3840xf32, #tpu.memory_space<vmem>> -> memref<16x3840xf32, #tpu.memory_space<vmem>>
    %dma_start3A_23 = arith.constant 0 : i32
    %dma_start3A_24 = tpu.memref_slice %arg2[%dma_start3A_23, %add3A_18] : memref<16x1000000xf32, #tpu.memory_space<hbm>> -> memref<16x3840xf32, #tpu.memory_space<hbm>>
    %dma_start3A_25 = tpu.memref_slice %arg6[%dma_start3A_19] : memref<2x!tpu.dma_semaphore, #tpu.memory_space<semaphore_mem>> -> memref<1x!tpu.dma_semaphore, #tpu.memory_space<semaphore_mem>>
    %dma_start3A_26 = tpu.memref_squeeze %dma_start3A_25 : memref<1x!tpu.dma_semaphore, #tpu.memory_space<semaphore_mem>> -> memref<!tpu.dma_semaphore, #tpu.memory_space<semaphore_mem>>
    %dma_start3A_27 = arith.constant 0 : i32
    %dma_start3A_28 = arith.constant 0 : i32
    %dma_start3A_29 = tpu.memref_slice %arg5[%dma_start3A_27, %dma_start3A_28] : memref<16x3840xf32, #tpu.memory_space<vmem>> -> memref<16x3840xf32, #tpu.memory_space<vmem>>
    %dma_start3A_30 = arith.constant 0 : i32
    %dma_start3A_31 = tpu.memref_slice %arg2[%dma_start3A_30, %add3A_18] : memref<16x1000000xf32, #tpu.memory_space<hbm>> -> memref<16x3840xf32, #tpu.memory_space<hbm>>
    tpu.enqueue_dma source(%dma_start3A_31 : memref<16x3840xf32, #tpu.memory_space<hbm>>) target(%dma_start3A_29 : memref<16x3840xf32, #tpu.memory_space<vmem>>) target_semaphore(%dma_start3A_26 : memref<!tpu.dma_semaphore, #tpu.memory_space<semaphore_mem>>)
    %dma_wait3A = arith.constant 0 : i32
    %dma_wait3A_32 = arith.constant 0 : i32
    %dma_wait3A_33 = arith.constant 0 : i32
    %dma_wait3A_34 = tpu.memref_slice %arg4[%dma_wait3A_32, %dma_wait3A_33] : memref<16x3840xf32, #tpu.memory_space<vmem>> -> memref<16x3840xf32, #tpu.memory_space<vmem>>
    %dma_wait3A_35 = arith.constant 0 : i32
    %dma_wait3A_36 = tpu.memref_slice %arg2[%dma_wait3A_35, %add3A_4] : memref<16x1000000xf32, #tpu.memory_space<hbm>> -> memref<16x3840xf32, #tpu.memory_space<hbm>>
    %dma_wait3A_37 = tpu.memref_slice %arg6[%dma_wait3A] : memref<2x!tpu.dma_semaphore, #tpu.memory_space<semaphore_mem>> -> memref<1x!tpu.dma_semaphore, #tpu.memory_space<semaphore_mem>>
    %dma_wait3A_38 = tpu.memref_squeeze %dma_wait3A_37 : memref<1x!tpu.dma_semaphore, #tpu.memory_space<semaphore_mem>> -> memref<!tpu.dma_semaphore, #tpu.memory_space<semaphore_mem>>
    %dma_wait3A_39 = arith.constant 0 : i32
    %dma_wait3A_40 = arith.constant 0 : i32
    %dma_wait3A_41 = tpu.memref_slice %arg4[%dma_wait3A_39, %dma_wait3A_40] : memref<16x3840xf32, #tpu.memory_space<vmem>> -> memref<16x3840xf32, #tpu.memory_space<vmem>>
    %dma_wait3A_42 = arith.constant 0 : i32
    %dma_wait3A_43 = tpu.memref_slice %arg2[%dma_wait3A_42, %add3A_4] : memref<16x1000000xf32, #tpu.memory_space<hbm>> -> memref<16x3840xf32, #tpu.memory_space<hbm>>
    tpu.wait_dma2 semaphore(%dma_wait3A_38 : memref<!tpu.dma_semaphore, #tpu.memory_space<semaphore_mem>>) src(%dma_wait3A_43 : memref<16x3840xf32, #tpu.memory_space<hbm>>) dst(%dma_wait3A_41 : memref<16x3840xf32, #tpu.memory_space<vmem>>)
    %add3A_44 = arith.constant 0 : i32
    %add3A_45 = arith.addi %multiple_of3A, %add3A_44 : i32
    %dma_start3A_46 = arith.constant 0 : i32
    %dma_start3A_47 = arith.constant 0 : i32
    %dma_start3A_48 = arith.constant 0 : i32
    %dma_start3A_49 = tpu.memref_slice %arg4[%dma_start3A_47, %dma_start3A_48] : memref<16x3840xf32, #tpu.memory_space<vmem>> -> memref<16x3840xf32, #tpu.memory_space<vmem>>
    %dma_start3A_50 = arith.constant 0 : i32
    %dma_start3A_51 = tpu.memref_slice %arg3[%dma_start3A_50, %add3A_45] : memref<16x1000000xf32, #tpu.memory_space<hbm>> -> memref<16x3840xf32, #tpu.memory_space<hbm>>
    %dma_start3A_52 = tpu.memref_slice %arg7[%dma_start3A_46] : memref<2x!tpu.dma_semaphore, #tpu.memory_space<semaphore_mem>> -> memref<1x!tpu.dma_semaphore, #tpu.memory_space<semaphore_mem>>
    %dma_start3A_53 = tpu.memref_squeeze %dma_start3A_52 : memref<1x!tpu.dma_semaphore, #tpu.memory_space<semaphore_mem>> -> memref<!tpu.dma_semaphore, #tpu.memory_space<semaphore_mem>>
    %dma_start3A_54 = arith.constant 0 : i32
    %dma_start3A_55 = tpu.memref_slice %arg3[%dma_start3A_54, %add3A_45] : memref<16x1000000xf32, #tpu.memory_space<hbm>> -> memref<16x3840xf32, #tpu.memory_space<hbm>>
    %dma_start3A_56 = arith.constant 0 : i32
    %dma_start3A_57 = arith.constant 0 : i32
    %dma_start3A_58 = tpu.memref_slice %arg4[%dma_start3A_56, %dma_start3A_57] : memref<16x3840xf32, #tpu.memory_space<vmem>> -> memref<16x3840xf32, #tpu.memory_space<vmem>>
    tpu.enqueue_dma source(%dma_start3A_58 : memref<16x3840xf32, #tpu.memory_space<vmem>>) target(%dma_start3A_55 : memref<16x3840xf32, #tpu.memory_space<hbm>>) target_semaphore(%dma_start3A_53 : memref<!tpu.dma_semaphore, #tpu.memory_space<semaphore_mem>>)
    %dma_wait3A_59 = arith.constant 0 : i32
    %dma_wait3A_60 = arith.constant 0 : i32
    %dma_wait3A_61 = arith.constant 0 : i32
    %dma_wait3A_62 = tpu.memref_slice %arg4[%dma_wait3A_60, %dma_wait3A_61] : memref<16x3840xf32, #tpu.memory_space<vmem>> -> memref<16x3840xf32, #tpu.memory_space<vmem>>
    %dma_wait3A_63 = arith.constant 0 : i32
    %dma_wait3A_64 = tpu.memref_slice %arg3[%dma_wait3A_63, %add3A_45] : memref<16x1000000xf32, #tpu.memory_space<hbm>> -> memref<16x3840xf32, #tpu.memory_space<hbm>>
    %dma_wait3A_65 = tpu.memref_slice %arg7[%dma_wait3A_59] : memref<2x!tpu.dma_semaphore, #tpu.memory_space<semaphore_mem>> -> memref<1x!tpu.dma_semaphore, #tpu.memory_space<semaphore_mem>>
    %dma_wait3A_66 = tpu.memref_squeeze %dma_wait3A_65 : memref<1x!tpu.dma_semaphore, #tpu.memory_space<semaphore_mem>> -> memref<!tpu.dma_semaphore, #tpu.memory_space<semaphore_mem>>
    %dma_wait3A_67 = arith.constant 0 : i32
    %dma_wait3A_68 = tpu.memref_slice %arg3[%dma_wait3A_67, %add3A_45] : memref<16x1000000xf32, #tpu.memory_space<hbm>> -> memref<16x3840xf32, #tpu.memory_space<hbm>>
    %dma_wait3A_69 = arith.constant 0 : i32
    %dma_wait3A_70 = arith.constant 0 : i32
    %dma_wait3A_71 = tpu.memref_slice %arg4[%dma_wait3A_69, %dma_wait3A_70] : memref<16x3840xf32, #tpu.memory_space<vmem>> -> memref<16x3840xf32, #tpu.memory_space<vmem>>
    tpu.wait_dma2 semaphore(%dma_wait3A_66 : memref<!tpu.dma_semaphore, #tpu.memory_space<semaphore_mem>>) src(%dma_wait3A_71 : memref<16x3840xf32, #tpu.memory_space<vmem>>) dst(%dma_wait3A_68 : memref<16x3840xf32, #tpu.memory_space<hbm>>)
    %add3A_72 = arith.constant 7680 : i32
    %add3A_73 = arith.addi %multiple_of3A, %add3A_72 : i32
    %dma_start3A_74 = arith.constant 0 : i32
    %dma_start3A_75 = arith.constant 0 : i32
    %dma_start3A_76 = arith.constant 0 : i32
    %dma_start3A_77 = tpu.memref_slice %arg4[%dma_start3A_75, %dma_start3A_76] : memref<16x3840xf32, #tpu.memory_space<vmem>> -> memref<16x3840xf32, #tpu.memory_space<vmem>>
    %dma_start3A_78 = arith.constant 0 : i32
    %dma_start3A_79 = tpu.memref_slice %arg2[%dma_start3A_78, %add3A_73] : memref<16x1000000xf32, #tpu.memory_space<hbm>> -> memref<16x3840xf32, #tpu.memory_space<hbm>>
    %dma_start3A_80 = tpu.memref_slice %arg6[%dma_start3A_74] : memref<2x!tpu.dma_semaphore, #tpu.memory_space<semaphore_mem>> -> memref<1x!tpu.dma_semaphore, #tpu.memory_space<semaphore_mem>>
    %dma_start3A_81 = tpu.memref_squeeze %dma_start3A_80 : memref<1x!tpu.dma_semaphore, #tpu.memory_space<semaphore_mem>> -> memref<!tpu.dma_semaphore, #tpu.memory_space<semaphore_mem>>
    %dma_start3A_82 = arith.constant 0 : i32
    %dma_start3A_83 = arith.constant 0 : i32
    %dma_start3A_84 = tpu.memref_slice %arg4[%dma_start3A_82, %dma_start3A_83] : memref<16x3840xf32, #tpu.memory_space<vmem>> -> memref<16x3840xf32, #tpu.memory_space<vmem>>
    %dma_start3A_85 = arith.constant 0 : i32
    %dma_start3A_86 = tpu.memref_slice %arg2[%dma_start3A_85, %add3A_73] : memref<16x1000000xf32, #tpu.memory_space<hbm>> -> memref<16x3840xf32, #tpu.memory_space<hbm>>
    tpu.enqueue_dma source(%dma_start3A_86 : memref<16x3840xf32, #tpu.memory_space<hbm>>) target(%dma_start3A_84 : memref<16x3840xf32, #tpu.memory_space<vmem>>) target_semaphore(%dma_start3A_81 : memref<!tpu.dma_semaphore, #tpu.memory_space<semaphore_mem>>)
    %dma_wait3A_87 = arith.constant 1 : i32
    %dma_wait3A_88 = arith.constant 0 : i32
    %dma_wait3A_89 = arith.constant 0 : i32
    %dma_wait3A_90 = tpu.memref_slice %arg5[%dma_wait3A_88, %dma_wait3A_89] : memref<16x3840xf32, #tpu.memory_space<vmem>> -> memref<16x3840xf32, #tpu.memory_space<vmem>>
    %dma_wait3A_91 = arith.constant 0 : i32
    %dma_wait3A_92 = tpu.memref_slice %arg2[%dma_wait3A_91, %add3A_18] : memref<16x1000000xf32, #tpu.memory_space<hbm>> -> memref<16x3840xf32, #tpu.memory_space<hbm>>
    %dma_wait3A_93 = tpu.memref_slice %arg6[%dma_wait3A_87] : memref<2x!tpu.dma_semaphore, #tpu.memory_space<semaphore_mem>> -> memref<1x!tpu.dma_semaphore, #tpu.memory_space<semaphore_mem>>
    %dma_wait3A_94 = tpu.memref_squeeze %dma_wait3A_93 : memref<1x!tpu.dma_semaphore, #tpu.memory_space<semaphore_mem>> -> memref<!tpu.dma_semaphore, #tpu.memory_space<semaphore_mem>>
    %dma_wait3A_95 = arith.constant 0 : i32
    %dma_wait3A_96 = arith.constant 0 : i32
    %dma_wait3A_97 = tpu.memref_slice %arg5[%dma_wait3A_95, %dma_wait3A_96] : memref<16x3840xf32, #tpu.memory_space<vmem>> -> memref<16x3840xf32, #tpu.memory_space<vmem>>
    %dma_wait3A_98 = arith.constant 0 : i32
    %dma_wait3A_99 = tpu.memref_slice %arg2[%dma_wait3A_98, %add3A_18] : memref<16x1000000xf32, #tpu.memory_space<hbm>> -> memref<16x3840xf32, #tpu.memory_space<hbm>>
    tpu.wait_dma2 semaphore(%dma_wait3A_94 : memref<!tpu.dma_semaphore, #tpu.memory_space<semaphore_mem>>) src(%dma_wait3A_99 : memref<16x3840xf32, #tpu.memory_space<hbm>>) dst(%dma_wait3A_97 : memref<16x3840xf32, #tpu.memory_space<vmem>>)
    %add3A_100 = arith.constant 3840 : i32
    %add3A_101 = arith.addi %multiple_of3A, %add3A_100 : i32
    %dma_start3A_102 = arith.constant 1 : i32
    %dma_start3A_103 = arith.constant 0 : i32
    %dma_start3A_104 = arith.constant 0 : i32
    %dma_start3A_105 = tpu.memref_slice %arg5[%dma_start3A_103, %dma_start3A_104] : memref<16x3840xf32, #tpu.memory_space<vmem>> -> memref<16x3840xf32, #tpu.memory_space<vmem>>
    %dma_start3A_106 = arith.constant 0 : i32
    %dma_start3A_107 = tpu.memref_slice %arg3[%dma_start3A_106, %add3A_101] : memref<16x1000000xf32, #tpu.memory_space<hbm>> -> memref<16x3840xf32, #tpu.memory_space<hbm>>
    %dma_start3A_108 = tpu.memref_slice %arg7[%dma_start3A_102] : memref<2x!tpu.dma_semaphore, #tpu.memory_space<semaphore_mem>> -> memref<1x!tpu.dma_semaphore, #tpu.memory_space<semaphore_mem>>
    %dma_start3A_109 = tpu.memref_squeeze %dma_start3A_108 : memref<1x!tpu.dma_semaphore, #tpu.memory_space<semaphore_mem>> -> memref<!tpu.dma_semaphore, #tpu.memory_space<semaphore_mem>>
    %dma_start3A_110 = arith.constant 0 : i32
    %dma_start3A_111 = tpu.memref_slice %arg3[%dma_start3A_110, %add3A_101] : memref<16x1000000xf32, #tpu.memory_space<hbm>> -> memref<16x3840xf32, #tpu.memory_space<hbm>>
    %dma_start3A_112 = arith.constant 0 : i32
    %dma_start3A_113 = arith.constant 0 : i32
    %dma_start3A_114 = tpu.memref_slice %arg5[%dma_start3A_112, %dma_start3A_113] : memref<16x3840xf32, #tpu.memory_space<vmem>> -> memref<16x3840xf32, #tpu.memory_space<vmem>>
    tpu.enqueue_dma source(%dma_start3A_114 : memref<16x3840xf32, #tpu.memory_space<vmem>>) target(%dma_start3A_111 : memref<16x3840xf32, #tpu.memory_space<hbm>>) target_semaphore(%dma_start3A_109 : memref<!tpu.dma_semaphore, #tpu.memory_space<semaphore_mem>>)
    %dma_wait3A_115 = arith.constant 1 : i32
    %dma_wait3A_116 = arith.constant 0 : i32
    %dma_wait3A_117 = arith.constant 0 : i32
    %dma_wait3A_118 = tpu.memref_slice %arg5[%dma_wait3A_116, %dma_wait3A_117] : memref<16x3840xf32, #tpu.memory_space<vmem>> -> memref<16x3840xf32, #tpu.memory_space<vmem>>
    %dma_wait3A_119 = arith.constant 0 : i32
    %dma_wait3A_120 = tpu.memref_slice %arg3[%dma_wait3A_119, %add3A_101] : memref<16x1000000xf32, #tpu.memory_space<hbm>> -> memref<16x3840xf32, #tpu.memory_space<hbm>>
    %dma_wait3A_121 = tpu.memref_slice %arg7[%dma_wait3A_115] : memref<2x!tpu.dma_semaphore, #tpu.memory_space<semaphore_mem>> -> memref<1x!tpu.dma_semaphore, #tpu.memory_space<semaphore_mem>>
    %dma_wait3A_122 = tpu.memref_squeeze %dma_wait3A_121 : memref<1x!tpu.dma_semaphore, #tpu.memory_space<semaphore_mem>> -> memref<!tpu.dma_semaphore, #tpu.memory_space<semaphore_mem>>
    %dma_wait3A_123 = arith.constant 0 : i32
    %dma_wait3A_124 = tpu.memref_slice %arg3[%dma_wait3A_123, %add3A_101] : memref<16x1000000xf32, #tpu.memory_space<hbm>> -> memref<16x3840xf32, #tpu.memory_space<hbm>>
    %dma_wait3A_125 = arith.constant 0 : i32
    %dma_wait3A_126 = arith.constant 0 : i32
    %dma_wait3A_127 = tpu.memref_slice %arg5[%dma_wait3A_125, %dma_wait3A_126] : memref<16x3840xf32, #tpu.memory_space<vmem>> -> memref<16x3840xf32, #tpu.memory_space<vmem>>
    tpu.wait_dma2 semaphore(%dma_wait3A_122 : memref<!tpu.dma_semaphore, #tpu.memory_space<semaphore_mem>>) src(%dma_wait3A_127 : memref<16x3840xf32, #tpu.memory_space<vmem>>) dst(%dma_wait3A_124 : memref<16x3840xf32, #tpu.memory_space<hbm>>)
    %add3A_128 = arith.constant 11520 : i32
    %add3A_129 = arith.addi %multiple_of3A, %add3A_128 : i32
    %dma_start3A_130 = arith.constant 1 : i32
    %dma_start3A_131 = arith.constant 0 : i32
    %dma_start3A_132 = arith.constant 0 : i32
    %dma_start3A_133 = tpu.memref_slice %arg5[%dma_start3A_131, %dma_start3A_132] : memref<16x3840xf32, #tpu.memory_space<vmem>> -> memref<16x3840xf32, #tpu.memory_space<vmem>>
    %dma_start3A_134 = arith.constant 0 : i32
    %dma_start3A_135 = tpu.memref_slice %arg2[%dma_start3A_134, %add3A_129] : memref<16x1000000xf32, #tpu.memory_space<hbm>> -> memref<16x3840xf32, #tpu.memory_space<hbm>>
    %dma_start3A_136 = tpu.memref_slice %arg6[%dma_start3A_130] : memref<2x!tpu.dma_semaphore, #tpu.memory_space<semaphore_mem>> -> memref<1x!tpu.dma_semaphore, #tpu.memory_space<semaphore_mem>>
    %dma_start3A_137 = tpu.memref_squeeze %dma_start3A_136 : memref<1x!tpu.dma_semaphore, #tpu.memory_space<semaphore_mem>> -> memref<!tpu.dma_semaphore, #tpu.memory_space<semaphore_mem>>
    %dma_start3A_138 = arith.constant 0 : i32
    %dma_start3A_139 = arith.constant 0 : i32
    %dma_start3A_140 = tpu.memref_slice %arg5[%dma_start3A_138, %dma_start3A_139] : memref<16x3840xf32, #tpu.memory_space<vmem>> -> memref<16x3840xf32, #tpu.memory_space<vmem>>
    %dma_start3A_141 = arith.constant 0 : i32
    %dma_start3A_142 = tpu.memref_slice %arg2[%dma_start3A_141, %add3A_129] : memref<16x1000000xf32, #tpu.memory_space<hbm>> -> memref<16x3840xf32, #tpu.memory_space<hbm>>
    tpu.enqueue_dma source(%dma_start3A_142 : memref<16x3840xf32, #tpu.memory_space<hbm>>) target(%dma_start3A_140 : memref<16x3840xf32, #tpu.memory_space<vmem>>) target_semaphore(%dma_start3A_137 : memref<!tpu.dma_semaphore, #tpu.memory_space<semaphore_mem>>)
    %dma_wait3A_143 = arith.constant 0 : i32
    %dma_wait3A_144 = arith.constant 0 : i32
    %dma_wait3A_145 = arith.constant 0 : i32
    %dma_wait3A_146 = tpu.memref_slice %arg4[%dma_wait3A_144, %dma_wait3A_145] : memref<16x3840xf32, #tpu.memory_space<vmem>> -> memref<16x3840xf32, #tpu.memory_space<vmem>>
    %dma_wait3A_147 = arith.constant 0 : i32
    %dma_wait3A_148 = tpu.memref_slice %arg2[%dma_wait3A_147, %add3A_73] : memref<16x1000000xf32, #tpu.memory_space<hbm>> -> memref<16x3840xf32, #tpu.memory_space<hbm>>
    %dma_wait3A_149 = tpu.memref_slice %arg6[%dma_wait3A_143] : memref<2x!tpu.dma_semaphore, #tpu.memory_space<semaphore_mem>> -> memref<1x!tpu.dma_semaphore, #tpu.memory_space<semaphore_mem>>
    %dma_wait3A_150 = tpu.memref_squeeze %dma_wait3A_149 : memref<1x!tpu.dma_semaphore, #tpu.memory_space<semaphore_mem>> -> memref<!tpu.dma_semaphore, #tpu.memory_space<semaphore_mem>>
    %dma_wait3A_151 = arith.constant 0 : i32
    %dma_wait3A_152 = arith.constant 0 : i32
    %dma_wait3A_153 = tpu.memref_slice %arg4[%dma_wait3A_151, %dma_wait3A_152] : memref<16x3840xf32, #tpu.memory_space<vmem>> -> memref<16x3840xf32, #tpu.memory_space<vmem>>
    %dma_wait3A_154 = arith.constant 0 : i32
    %dma_wait3A_155 = tpu.memref_slice %arg2[%dma_wait3A_154, %add3A_73] : memref<16x1000000xf32, #tpu.memory_space<hbm>> -> memref<16x3840xf32, #tpu.memory_space<hbm>>
    tpu.wait_dma2 semaphore(%dma_wait3A_150 : memref<!tpu.dma_semaphore, #tpu.memory_space<semaphore_mem>>) src(%dma_wait3A_155 : memref<16x3840xf32, #tpu.memory_space<hbm>>) dst(%dma_wait3A_153 : memref<16x3840xf32, #tpu.memory_space<vmem>>)
    %add3A_156 = arith.constant 7680 : i32
    %add3A_157 = arith.addi %multiple_of3A, %add3A_156 : i32
    %dma_start3A_158 = arith.constant 0 : i32
    %dma_start3A_159 = arith.constant 0 : i32
    %dma_start3A_160 = arith.constant 0 : i32
    %dma_start3A_161 = tpu.memref_slice %arg4[%dma_start3A_159, %dma_start3A_160] : memref<16x3840xf32, #tpu.memory_space<vmem>> -> memref<16x3840xf32, #tpu.memory_space<vmem>>
    %dma_start3A_162 = arith.constant 0 : i32
    %dma_start3A_163 = tpu.memref_slice %arg3[%dma_start3A_162, %add3A_157] : memref<16x1000000xf32, #tpu.memory_space<hbm>> -> memref<16x3840xf32, #tpu.memory_space<hbm>>
    %dma_start3A_164 = tpu.memref_slice %arg7[%dma_start3A_158] : memref<2x!tpu.dma_semaphore, #tpu.memory_space<semaphore_mem>> -> memref<1x!tpu.dma_semaphore, #tpu.memory_space<semaphore_mem>>
    %dma_start3A_165 = tpu.memref_squeeze %dma_start3A_164 : memref<1x!tpu.dma_semaphore, #tpu.memory_space<semaphore_mem>> -> memref<!tpu.dma_semaphore, #tpu.memory_space<semaphore_mem>>
    %dma_start3A_166 = arith.constant 0 : i32
    %dma_start3A_167 = tpu.memref_slice %arg3[%dma_start3A_166, %add3A_157] : memref<16x1000000xf32, #tpu.memory_space<hbm>> -> memref<16x3840xf32, #tpu.memory_space<hbm>>
    %dma_start3A_168 = arith.constant 0 : i32
    %dma_start3A_169 = arith.constant 0 : i32
    %dma_start3A_170 = tpu.memref_slice %arg4[%dma_start3A_168, %dma_start3A_169] : memref<16x3840xf32, #tpu.memory_space<vmem>> -> memref<16x3840xf32, #tpu.memory_space<vmem>>
    tpu.enqueue_dma source(%dma_start3A_170 : memref<16x3840xf32, #tpu.memory_space<vmem>>) target(%dma_start3A_167 : memref<16x3840xf32, #tpu.memory_space<hbm>>) target_semaphore(%dma_start3A_165 : memref<!tpu.dma_semaphore, #tpu.memory_space<semaphore_mem>>)
    %dma_wait3A_171 = arith.constant 0 : i32
    %dma_wait3A_172 = arith.constant 0 : i32
    %dma_wait3A_173 = arith.constant 0 : i32
    %dma_wait3A_174 = tpu.memref_slice %arg4[%dma_wait3A_172, %dma_wait3A_173] : memref<16x3840xf32, #tpu.memory_space<vmem>> -> memref<16x3840xf32, #tpu.memory_space<vmem>>
    %dma_wait3A_175 = arith.constant 0 : i32
    %dma_wait3A_176 = tpu.memref_slice %arg3[%dma_wait3A_175, %add3A_157] : memref<16x1000000xf32, #tpu.memory_space<hbm>> -> memref<16x3840xf32, #tpu.memory_space<hbm>>
    %dma_wait3A_177 = tpu.memref_slice %arg7[%dma_wait3A_171] : memref<2x!tpu.dma_semaphore, #tpu.memory_space<semaphore_mem>> -> memref<1x!tpu.dma_semaphore, #tpu.memory_space<semaphore_mem>>
    %dma_wait3A_178 = tpu.memref_squeeze %dma_wait3A_177 : memref<1x!tpu.dma_semaphore, #tpu.memory_space<semaphore_mem>> -> memref<!tpu.dma_semaphore, #tpu.memory_space<semaphore_mem>>
    %dma_wait3A_179 = arith.constant 0 : i32
    %dma_wait3A_180 = tpu.memref_slice %arg3[%dma_wait3A_179, %add3A_157] : memref<16x1000000xf32, #tpu.memory_space<hbm>> -> memref<16x3840xf32, #tpu.memory_space<hbm>>
    %dma_wait3A_181 = arith.constant 0 : i32
    %dma_wait3A_182 = arith.constant 0 : i32
    %dma_wait3A_183 = tpu.memref_slice %arg4[%dma_wait3A_181, %dma_wait3A_182] : memref<16x3840xf32, #tpu.memory_space<vmem>> -> memref<16x3840xf32, #tpu.memory_space<vmem>>
    tpu.wait_dma2 semaphore(%dma_wait3A_178 : memref<!tpu.dma_semaphore, #tpu.memory_space<semaphore_mem>>) src(%dma_wait3A_183 : memref<16x3840xf32, #tpu.memory_space<vmem>>) dst(%dma_wait3A_180 : memref<16x3840xf32, #tpu.memory_space<hbm>>)
    %add3A_184 = arith.constant 15360 : i32
    %add3A_185 = arith.addi %multiple_of3A, %add3A_184 : i32
    %dma_start3A_186 = arith.constant 0 : i32
    %dma_start3A_187 = arith.constant 0 : i32
    %dma_start3A_188 = arith.constant 0 : i32
    %dma_start3A_189 = tpu.memref_slice %arg4[%dma_start3A_187, %dma_start3A_188] : memref<16x3840xf32, #tpu.memory_space<vmem>> -> memref<16x3840xf32, #tpu.memory_space<vmem>>
    %dma_start3A_190 = arith.constant 0 : i32
    %dma_start3A_191 = tpu.memref_slice %arg2[%dma_start3A_190, %add3A_185] : memref<16x1000000xf32, #tpu.memory_space<hbm>> -> memref<16x3840xf32, #tpu.memory_space<hbm>>
    %dma_start3A_192 = tpu.memref_slice %arg6[%dma_start3A_186] : memref<2x!tpu.dma_semaphore, #tpu.memory_space<semaphore_mem>> -> memref<1x!tpu.dma_semaphore, #tpu.memory_space<semaphore_mem>>
    %dma_start3A_193 = tpu.memref_squeeze %dma_start3A_192 : memref<1x!tpu.dma_semaphore, #tpu.memory_space<semaphore_mem>> -> memref<!tpu.dma_semaphore, #tpu.memory_space<semaphore_mem>>
    %dma_start3A_194 = arith.constant 0 : i32
    %dma_start3A_195 = arith.constant 0 : i32
    %dma_start3A_196 = tpu.memref_slice %arg4[%dma_start3A_194, %dma_start3A_195] : memref<16x3840xf32, #tpu.memory_space<vmem>> -> memref<16x3840xf32, #tpu.memory_space<vmem>>
    %dma_start3A_197 = arith.constant 0 : i32
    %dma_start3A_198 = tpu.memref_slice %arg2[%dma_start3A_197, %add3A_185] : memref<16x1000000xf32, #tpu.memory_space<hbm>> -> memref<16x3840xf32, #tpu.memory_space<hbm>>
    tpu.enqueue_dma source(%dma_start3A_198 : memref<16x3840xf32, #tpu.memory_space<hbm>>) target(%dma_start3A_196 : memref<16x3840xf32, #tpu.memory_space<vmem>>) target_semaphore(%dma_start3A_193 : memref<!tpu.dma_semaphore, #tpu.memory_space<semaphore_mem>>)
    %dma_wait3A_199 = arith.constant 1 : i32
    %dma_wait3A_200 = arith.constant 0 : i32
    %dma_wait3A_201 = arith.constant 0 : i32
    %dma_wait3A_202 = tpu.memref_slice %arg5[%dma_wait3A_200, %dma_wait3A_201] : memref<16x3840xf32, #tpu.memory_space<vmem>> -> memref<16x3840xf32, #tpu.memory_space<vmem>>
    %dma_wait3A_203 = arith.constant 0 : i32
    %dma_wait3A_204 = tpu.memref_slice %arg2[%dma_wait3A_203, %add3A_129] : memref<16x1000000xf32, #tpu.memory_space<hbm>> -> memref<16x3840xf32, #tpu.memory_space<hbm>>
    %dma_wait3A_205 = tpu.memref_slice %arg6[%dma_wait3A_199] : memref<2x!tpu.dma_semaphore, #tpu.memory_space<semaphore_mem>> -> memref<1x!tpu.dma_semaphore, #tpu.memory_space<semaphore_mem>>
    %dma_wait3A_206 = tpu.memref_squeeze %dma_wait3A_205 : memref<1x!tpu.dma_semaphore, #tpu.memory_space<semaphore_mem>> -> memref<!tpu.dma_semaphore, #tpu.memory_space<semaphore_mem>>
    %dma_wait3A_207 = arith.constant 0 : i32
    %dma_wait3A_208 = arith.constant 0 : i32
    %dma_wait3A_209 = tpu.memref_slice %arg5[%dma_wait3A_207, %dma_wait3A_208] : memref<16x3840xf32, #tpu.memory_space<vmem>> -> memref<16x3840xf32, #tpu.memory_space<vmem>>
    %dma_wait3A_210 = arith.constant 0 : i32
    %dma_wait3A_211 = tpu.memref_slice %arg2[%dma_wait3A_210, %add3A_129] : memref<16x1000000xf32, #tpu.memory_space<hbm>> -> memref<16x3840xf32, #tpu.memory_space<hbm>>
    tpu.wait_dma2 semaphore(%dma_wait3A_206 : memref<!tpu.dma_semaphore, #tpu.memory_space<semaphore_mem>>) src(%dma_wait3A_211 : memref<16x3840xf32, #tpu.memory_space<hbm>>) dst(%dma_wait3A_209 : memref<16x3840xf32, #tpu.memory_space<vmem>>)
    %add3A_212 = arith.constant 11520 : i32
    %add3A_213 = arith.addi %multiple_of3A, %add3A_212 : i32
    %dma_start3A_214 = arith.constant 1 : i32
    %dma_start3A_215 = arith.constant 0 : i32
    %dma_start3A_216 = arith.constant 0 : i32
    %dma_start3A_217 = tpu.memref_slice %arg5[%dma_start3A_215, %dma_start3A_216] : memref<16x3840xf32, #tpu.memory_space<vmem>> -> memref<16x3840xf32, #tpu.memory_space<vmem>>
    %dma_start3A_218 = arith.constant 0 : i32
    %dma_start3A_219 = tpu.memref_slice %arg3[%dma_start3A_218, %add3A_213] : memref<16x1000000xf32, #tpu.memory_space<hbm>> -> memref<16x3840xf32, #tpu.memory_space<hbm>>
    %dma_start3A_220 = tpu.memref_slice %arg7[%dma_start3A_214] : memref<2x!tpu.dma_semaphore, #tpu.memory_space<semaphore_mem>> -> memref<1x!tpu.dma_semaphore, #tpu.memory_space<semaphore_mem>>
    %dma_start3A_221 = tpu.memref_squeeze %dma_start3A_220 : memref<1x!tpu.dma_semaphore, #tpu.memory_space<semaphore_mem>> -> memref<!tpu.dma_semaphore, #tpu.memory_space<semaphore_mem>>
    %dma_start3A_222 = arith.constant 0 : i32
    %dma_start3A_223 = tpu.memref_slice %arg3[%dma_start3A_222, %add3A_213] : memref<16x1000000xf32, #tpu.memory_space<hbm>> -> memref<16x3840xf32, #tpu.memory_space<hbm>>
    %dma_start3A_224 = arith.constant 0 : i32
    %dma_start3A_225 = arith.constant 0 : i32
    %dma_start3A_226 = tpu.memref_slice %arg5[%dma_start3A_224, %dma_start3A_225] : memref<16x3840xf32, #tpu.memory_space<vmem>> -> memref<16x3840xf32, #tpu.memory_space<vmem>>
    tpu.enqueue_dma source(%dma_start3A_226 : memref<16x3840xf32, #tpu.memory_space<vmem>>) target(%dma_start3A_223 : memref<16x3840xf32, #tpu.memory_space<hbm>>) target_semaphore(%dma_start3A_221 : memref<!tpu.dma_semaphore, #tpu.memory_space<semaphore_mem>>)
    %dma_wait3A_227 = arith.constant 1 : i32
    %dma_wait3A_228 = arith.constant 0 : i32
    %dma_wait3A_229 = arith.constant 0 : i32
    %dma_wait3A_230 = tpu.memref_slice %arg5[%dma_wait3A_228, %dma_wait3A_229] : memref<16x3840xf32, #tpu.memory_space<vmem>> -> memref<16x3840xf32, #tpu.memory_space<vmem>>
    %dma_wait3A_231 = arith.constant 0 : i32
    %dma_wait3A_232 = tpu.memref_slice %arg3[%dma_wait3A_231, %add3A_213] : memref<16x1000000xf32, #tpu.memory_space<hbm>> -> memref<16x3840xf32, #tpu.memory_space<hbm>>
    %dma_wait3A_233 = tpu.memref_slice %arg7[%dma_wait3A_227] : memref<2x!tpu.dma_semaphore, #tpu.memory_space<semaphore_mem>> -> memref<1x!tpu.dma_semaphore, #tpu.memory_space<semaphore_mem>>
    %dma_wait3A_234 = tpu.memref_squeeze %dma_wait3A_233 : memref<1x!tpu.dma_semaphore, #tpu.memory_space<semaphore_mem>> -> memref<!tpu.dma_semaphore, #tpu.memory_space<semaphore_mem>>
    %dma_wait3A_235 = arith.constant 0 : i32
    %dma_wait3A_236 = tpu.memref_slice %arg3[%dma_wait3A_235, %add3A_213] : memref<16x1000000xf32, #tpu.memory_space<hbm>> -> memref<16x3840xf32, #tpu.memory_space<hbm>>
    %dma_wait3A_237 = arith.constant 0 : i32
    %dma_wait3A_238 = arith.constant 0 : i32
    %dma_wait3A_239 = tpu.memref_slice %arg5[%dma_wait3A_237, %dma_wait3A_238] : memref<16x3840xf32, #tpu.memory_space<vmem>> -> memref<16x3840xf32, #tpu.memory_space<vmem>>
    tpu.wait_dma2 semaphore(%dma_wait3A_234 : memref<!tpu.dma_semaphore, #tpu.memory_space<semaphore_mem>>) src(%dma_wait3A_239 : memref<16x3840xf32, #tpu.memory_space<vmem>>) dst(%dma_wait3A_236 : memref<16x3840xf32, #tpu.memory_space<hbm>>)
    %add3A_240 = arith.constant 19200 : i32
    %add3A_241 = arith.addi %multiple_of3A, %add3A_240 : i32
    %dma_start3A_242 = arith.constant 1 : i32
    %dma_start3A_243 = arith.constant 0 : i32
    %dma_start3A_244 = arith.constant 0 : i32
    %dma_start3A_245 = tpu.memref_slice %arg5[%dma_start3A_243, %dma_start3A_244] : memref<16x3840xf32, #tpu.memory_space<vmem>> -> memref<16x3840xf32, #tpu.memory_space<vmem>>
    %dma_start3A_246 = arith.constant 0 : i32
    %dma_start3A_247 = tpu.memref_slice %arg2[%dma_start3A_246, %add3A_241] : memref<16x1000000xf32, #tpu.memory_space<hbm>> -> memref<16x3840xf32, #tpu.memory_space<hbm>>
    %dma_start3A_248 = tpu.memref_slice %arg6[%dma_start3A_242] : memref<2x!tpu.dma_semaphore, #tpu.memory_space<semaphore_mem>> -> memref<1x!tpu.dma_semaphore, #tpu.memory_space<semaphore_mem>>
    %dma_start3A_249 = tpu.memref_squeeze %dma_start3A_248 : memref<1x!tpu.dma_semaphore, #tpu.memory_space<semaphore_mem>> -> memref<!tpu.dma_semaphore, #tpu.memory_space<semaphore_mem>>
    %dma_start3A_250 = arith.constant 0 : i32
    %dma_start3A_251 = arith.constant 0 : i32
    %dma_start3A_252 = tpu.memref_slice %arg5[%dma_start3A_250, %dma_start3A_251] : memref<16x3840xf32, #tpu.memory_space<vmem>> -> memref<16x3840xf32, #tpu.memory_space<vmem>>
    %dma_start3A_253 = arith.constant 0 : i32
    %dma_start3A_254 = tpu.memref_slice %arg2[%dma_start3A_253, %add3A_241] : memref<16x1000000xf32, #tpu.memory_space<hbm>> -> memref<16x3840xf32, #tpu.memory_space<hbm>>
    tpu.enqueue_dma source(%dma_start3A_254 : memref<16x3840xf32, #tpu.memory_space<hbm>>) target(%dma_start3A_252 : memref<16x3840xf32, #tpu.memory_space<vmem>>) target_semaphore(%dma_start3A_249 : memref<!tpu.dma_semaphore, #tpu.memory_space<semaphore_mem>>)
    %dma_wait3A_255 = arith.constant 0 : i32
    %dma_wait3A_256 = arith.constant 0 : i32
    %dma_wait3A_257 = arith.constant 0 : i32
    %dma_wait3A_258 = tpu.memref_slice %arg4[%dma_wait3A_256, %dma_wait3A_257] : memref<16x3840xf32, #tpu.memory_space<vmem>> -> memref<16x3840xf32, #tpu.memory_space<vmem>>
    %dma_wait3A_259 = arith.constant 0 : i32
    %dma_wait3A_260 = tpu.memref_slice %arg2[%dma_wait3A_259, %add3A_185] : memref<16x1000000xf32, #tpu.memory_space<hbm>> -> memref<16x3840xf32, #tpu.memory_space<hbm>>
    %dma_wait3A_261 = tpu.memref_slice %arg6[%dma_wait3A_255] : memref<2x!tpu.dma_semaphore, #tpu.memory_space<semaphore_mem>> -> memref<1x!tpu.dma_semaphore, #tpu.memory_space<semaphore_mem>>
    %dma_wait3A_262 = tpu.memref_squeeze %dma_wait3A_261 : memref<1x!tpu.dma_semaphore, #tpu.memory_space<semaphore_mem>> -> memref<!tpu.dma_semaphore, #tpu.memory_space<semaphore_mem>>
    %dma_wait3A_263 = arith.constant 0 : i32
    %dma_wait3A_264 = arith.constant 0 : i32
    %dma_wait3A_265 = tpu.memref_slice %arg4[%dma_wait3A_263, %dma_wait3A_264] : memref<16x3840xf32, #tpu.memory_space<vmem>> -> memref<16x3840xf32, #tpu.memory_space<vmem>>
    %dma_wait3A_266 = arith.constant 0 : i32
    %dma_wait3A_267 = tpu.memref_slice %arg2[%dma_wait3A_266, %add3A_185] : memref<16x1000000xf32, #tpu.memory_space<hbm>> -> memref<16x3840xf32, #tpu.memory_space<hbm>>
    tpu.wait_dma2 semaphore(%dma_wait3A_262 : memref<!tpu.dma_semaphore, #tpu.memory_space<semaphore_mem>>) src(%dma_wait3A_267 : memref<16x3840xf32, #tpu.memory_space<hbm>>) dst(%dma_wait3A_265 : memref<16x3840xf32, #tpu.memory_space<vmem>>)
    %add3A_268 = arith.constant 15360 : i32
    %add3A_269 = arith.addi %multiple_of3A, %add3A_268 : i32
    %dma_start3A_270 = arith.constant 0 : i32
    %dma_start3A_271 = arith.constant 0 : i32
    %dma_start3A_272 = arith.constant 0 : i32
    %dma_start3A_273 = tpu.memref_slice %arg4[%dma_start3A_271, %dma_start3A_272] : memref<16x3840xf32, #tpu.memory_space<vmem>> -> memref<16x3840xf32, #tpu.memory_space<vmem>>
    %dma_start3A_274 = arith.constant 0 : i32
    %dma_start3A_275 = tpu.memref_slice %arg3[%dma_start3A_274, %add3A_269] : memref<16x1000000xf32, #tpu.memory_space<hbm>> -> memref<16x3840xf32, #tpu.memory_space<hbm>>
    %dma_start3A_276 = tpu.memref_slice %arg7[%dma_start3A_270] : memref<2x!tpu.dma_semaphore, #tpu.memory_space<semaphore_mem>> -> memref<1x!tpu.dma_semaphore, #tpu.memory_space<semaphore_mem>>
    %dma_start3A_277 = tpu.memref_squeeze %dma_start3A_276 : memref<1x!tpu.dma_semaphore, #tpu.memory_space<semaphore_mem>> -> memref<!tpu.dma_semaphore, #tpu.memory_space<semaphore_mem>>
    %dma_start3A_278 = arith.constant 0 : i32
    %dma_start3A_279 = tpu.memref_slice %arg3[%dma_start3A_278, %add3A_269] : memref<16x1000000xf32, #tpu.memory_space<hbm>> -> memref<16x3840xf32, #tpu.memory_space<hbm>>
    %dma_start3A_280 = arith.constant 0 : i32
    %dma_start3A_281 = arith.constant 0 : i32
    %dma_start3A_282 = tpu.memref_slice %arg4[%dma_start3A_280, %dma_start3A_281] : memref<16x3840xf32, #tpu.memory_space<vmem>> -> memref<16x3840xf32, #tpu.memory_space<vmem>>
    tpu.enqueue_dma source(%dma_start3A_282 : memref<16x3840xf32, #tpu.memory_space<vmem>>) target(%dma_start3A_279 : memref<16x3840xf32, #tpu.memory_space<hbm>>) target_semaphore(%dma_start3A_277 : memref<!tpu.dma_semaphore, #tpu.memory_space<semaphore_mem>>)
    %dma_wait3A_283 = arith.constant 0 : i32
    %dma_wait3A_284 = arith.constant 0 : i32
    %dma_wait3A_285 = arith.constant 0 : i32
    %dma_wait3A_286 = tpu.memref_slice %arg4[%dma_wait3A_284, %dma_wait3A_285] : memref<16x3840xf32, #tpu.memory_space<vmem>> -> memref<16x3840xf32, #tpu.memory_space<vmem>>
    %dma_wait3A_287 = arith.constant 0 : i32
    %dma_wait3A_288 = tpu.memref_slice %arg3[%dma_wait3A_287, %add3A_269] : memref<16x1000000xf32, #tpu.memory_space<hbm>> -> memref<16x3840xf32, #tpu.memory_space<hbm>>
    %dma_wait3A_289 = tpu.memref_slice %arg7[%dma_wait3A_283] : memref<2x!tpu.dma_semaphore, #tpu.memory_space<semaphore_mem>> -> memref<1x!tpu.dma_semaphore, #tpu.memory_space<semaphore_mem>>
    %dma_wait3A_290 = tpu.memref_squeeze %dma_wait3A_289 : memref<1x!tpu.dma_semaphore, #tpu.memory_space<semaphore_mem>> -> memref<!tpu.dma_semaphore, #tpu.memory_space<semaphore_mem>>
    %dma_wait3A_291 = arith.constant 0 : i32
    %dma_wait3A_292 = tpu.memref_slice %arg3[%dma_wait3A_291, %add3A_269] : memref<16x1000000xf32, #tpu.memory_space<hbm>> -> memref<16x3840xf32, #tpu.memory_space<hbm>>
    %dma_wait3A_293 = arith.constant 0 : i32
    %dma_wait3A_294 = arith.constant 0 : i32
    %dma_wait3A_295 = tpu.memref_slice %arg4[%dma_wait3A_293, %dma_wait3A_294] : memref<16x3840xf32, #tpu.memory_space<vmem>> -> memref<16x3840xf32, #tpu.memory_space<vmem>>
    tpu.wait_dma2 semaphore(%dma_wait3A_290 : memref<!tpu.dma_semaphore, #tpu.memory_space<semaphore_mem>>) src(%dma_wait3A_295 : memref<16x3840xf32, #tpu.memory_space<vmem>>) dst(%dma_wait3A_292 : memref<16x3840xf32, #tpu.memory_space<hbm>>)
    %add3A_296 = arith.constant 23040 : i32
    %add3A_297 = arith.addi %multiple_of3A, %add3A_296 : i32
    %dma_start3A_298 = arith.constant 0 : i32
    %dma_start3A_299 = arith.constant 0 : i32
    %dma_start3A_300 = arith.constant 0 : i32
    %dma_start3A_301 = tpu.memref_slice %arg4[%dma_start3A_299, %dma_start3A_300] : memref<16x3840xf32, #tpu.memory_space<vmem>> -> memref<16x3840xf32, #tpu.memory_space<vmem>>
    %dma_start3A_302 = arith.constant 0 : i32
    %dma_start3A_303 = tpu.memref_slice %arg2[%dma_start3A_302, %add3A_297] : memref<16x1000000xf32, #tpu.memory_space<hbm>> -> memref<16x3840xf32, #tpu.memory_space<hbm>>
    %dma_start3A_304 = tpu.memref_slice %arg6[%dma_start3A_298] : memref<2x!tpu.dma_semaphore, #tpu.memory_space<semaphore_mem>> -> memref<1x!tpu.dma_semaphore, #tpu.memory_space<semaphore_mem>>
    %dma_start3A_305 = tpu.memref_squeeze %dma_start3A_304 : memref<1x!tpu.dma_semaphore, #tpu.memory_space<semaphore_mem>> -> memref<!tpu.dma_semaphore, #tpu.memory_space<semaphore_mem>>
    %dma_start3A_306 = arith.constant 0 : i32
    %dma_start3A_307 = arith.constant 0 : i32
    %dma_start3A_308 = tpu.memref_slice %arg4[%dma_start3A_306, %dma_start3A_307] : memref<16x3840xf32, #tpu.memory_space<vmem>> -> memref<16x3840xf32, #tpu.memory_space<vmem>>
    %dma_start3A_309 = arith.constant 0 : i32
    %dma_start3A_310 = tpu.memref_slice %arg2[%dma_start3A_309, %add3A_297] : memref<16x1000000xf32, #tpu.memory_space<hbm>> -> memref<16x3840xf32, #tpu.memory_space<hbm>>
    tpu.enqueue_dma source(%dma_start3A_310 : memref<16x3840xf32, #tpu.memory_space<hbm>>) target(%dma_start3A_308 : memref<16x3840xf32, #tpu.memory_space<vmem>>) target_semaphore(%dma_start3A_305 : memref<!tpu.dma_semaphore, #tpu.memory_space<semaphore_mem>>)
    %dma_wait3A_311 = arith.constant 1 : i32
    %dma_wait3A_312 = arith.constant 0 : i32
    %dma_wait3A_313 = arith.constant 0 : i32
    %dma_wait3A_314 = tpu.memref_slice %arg5[%dma_wait3A_312, %dma_wait3A_313] : memref<16x3840xf32, #tpu.memory_space<vmem>> -> memref<16x3840xf32, #tpu.memory_space<vmem>>
    %dma_wait3A_315 = arith.constant 0 : i32
    %dma_wait3A_316 = tpu.memref_slice %arg2[%dma_wait3A_315, %add3A_241] : memref<16x1000000xf32, #tpu.memory_space<hbm>> -> memref<16x3840xf32, #tpu.memory_space<hbm>>
    %dma_wait3A_317 = tpu.memref_slice %arg6[%dma_wait3A_311] : memref<2x!tpu.dma_semaphore, #tpu.memory_space<semaphore_mem>> -> memref<1x!tpu.dma_semaphore, #tpu.memory_space<semaphore_mem>>
    %dma_wait3A_318 = tpu.memref_squeeze %dma_wait3A_317 : memref<1x!tpu.dma_semaphore, #tpu.memory_space<semaphore_mem>> -> memref<!tpu.dma_semaphore, #tpu.memory_space<semaphore_mem>>
    %dma_wait3A_319 = arith.constant 0 : i32
    %dma_wait3A_320 = arith.constant 0 : i32
    %dma_wait3A_321 = tpu.memref_slice %arg5[%dma_wait3A_319, %dma_wait3A_320] : memref<16x3840xf32, #tpu.memory_space<vmem>> -> memref<16x3840xf32, #tpu.memory_space<vmem>>
    %dma_wait3A_322 = arith.constant 0 : i32
    %dma_wait3A_323 = tpu.memref_slice %arg2[%dma_wait3A_322, %add3A_241] : memref<16x1000000xf32, #tpu.memory_space<hbm>> -> memref<16x3840xf32, #tpu.memory_space<hbm>>
    tpu.wait_dma2 semaphore(%dma_wait3A_318 : memref<!tpu.dma_semaphore, #tpu.memory_space<semaphore_mem>>) src(%dma_wait3A_323 : memref<16x3840xf32, #tpu.memory_space<hbm>>) dst(%dma_wait3A_321 : memref<16x3840xf32, #tpu.memory_space<vmem>>)
    %add3A_324 = arith.constant 19200 : i32
    %add3A_325 = arith.addi %multiple_of3A, %add3A_324 : i32
    %dma_start3A_326 = arith.constant 1 : i32
    %dma_start3A_327 = arith.constant 0 : i32
    %dma_start3A_328 = arith.constant 0 : i32
    %dma_start3A_329 = tpu.memref_slice %arg5[%dma_start3A_327, %dma_start3A_328] : memref<16x3840xf32, #tpu.memory_space<vmem>> -> memref<16x3840xf32, #tpu.memory_space<vmem>>
    %dma_start3A_330 = arith.constant 0 : i32
    %dma_start3A_331 = tpu.memref_slice %arg3[%dma_start3A_330, %add3A_325] : memref<16x1000000xf32, #tpu.memory_space<hbm>> -> memref<16x3840xf32, #tpu.memory_space<hbm>>
    %dma_start3A_332 = tpu.memref_slice %arg7[%dma_start3A_326] : memref<2x!tpu.dma_semaphore, #tpu.memory_space<semaphore_mem>> -> memref<1x!tpu.dma_semaphore, #tpu.memory_space<semaphore_mem>>
    %dma_start3A_333 = tpu.memref_squeeze %dma_start3A_332 : memref<1x!tpu.dma_semaphore, #tpu.memory_space<semaphore_mem>> -> memref<!tpu.dma_semaphore, #tpu.memory_space<semaphore_mem>>
    %dma_start3A_334 = arith.constant 0 : i32
    %dma_start3A_335 = tpu.memref_slice %arg3[%dma_start3A_334, %add3A_325] : memref<16x1000000xf32, #tpu.memory_space<hbm>> -> memref<16x3840xf32, #tpu.memory_space<hbm>>
    %dma_start3A_336 = arith.constant 0 : i32
    %dma_start3A_337 = arith.constant 0 : i32
    %dma_start3A_338 = tpu.memref_slice %arg5[%dma_start3A_336, %dma_start3A_337] : memref<16x3840xf32, #tpu.memory_space<vmem>> -> memref<16x3840xf32, #tpu.memory_space<vmem>>
    tpu.enqueue_dma source(%dma_start3A_338 : memref<16x3840xf32, #tpu.memory_space<vmem>>) target(%dma_start3A_335 : memref<16x3840xf32, #tpu.memory_space<hbm>>) target_semaphore(%dma_start3A_333 : memref<!tpu.dma_semaphore, #tpu.memory_space<semaphore_mem>>)
    %dma_wait3A_339 = arith.constant 1 : i32
    %dma_wait3A_340 = arith.constant 0 : i32
    %dma_wait3A_341 = arith.constant 0 : i32
    %dma_wait3A_342 = tpu.memref_slice %arg5[%dma_wait3A_340, %dma_wait3A_341] : memref<16x3840xf32, #tpu.memory_space<vmem>> -> memref<16x3840xf32, #tpu.memory_space<vmem>>
    %dma_wait3A_343 = arith.constant 0 : i32
    %dma_wait3A_344 = tpu.memref_slice %arg3[%dma_wait3A_343, %add3A_325] : memref<16x1000000xf32, #tpu.memory_space<hbm>> -> memref<16x3840xf32, #tpu.memory_space<hbm>>
    %dma_wait3A_345 = tpu.memref_slice %arg7[%dma_wait3A_339] : memref<2x!tpu.dma_semaphore, #tpu.memory_space<semaphore_mem>> -> memref<1x!tpu.dma_semaphore, #tpu.memory_space<semaphore_mem>>
    %dma_wait3A_346 = tpu.memref_squeeze %dma_wait3A_345 : memref<1x!tpu.dma_semaphore, #tpu.memory_space<semaphore_mem>> -> memref<!tpu.dma_semaphore, #tpu.memory_space<semaphore_mem>>
    %dma_wait3A_347 = arith.constant 0 : i32
    %dma_wait3A_348 = tpu.memref_slice %arg3[%dma_wait3A_347, %add3A_325] : memref<16x1000000xf32, #tpu.memory_space<hbm>> -> memref<16x3840xf32, #tpu.memory_space<hbm>>
    %dma_wait3A_349 = arith.constant 0 : i32
    %dma_wait3A_350 = arith.constant 0 : i32
    %dma_wait3A_351 = tpu.memref_slice %arg5[%dma_wait3A_349, %dma_wait3A_350] : memref<16x3840xf32, #tpu.memory_space<vmem>> -> memref<16x3840xf32, #tpu.memory_space<vmem>>
    tpu.wait_dma2 semaphore(%dma_wait3A_346 : memref<!tpu.dma_semaphore, #tpu.memory_space<semaphore_mem>>) src(%dma_wait3A_351 : memref<16x3840xf32, #tpu.memory_space<vmem>>) dst(%dma_wait3A_348 : memref<16x3840xf32, #tpu.memory_space<hbm>>)
    %add3A_352 = arith.constant 26880 : i32
    %add3A_353 = arith.addi %multiple_of3A, %add3A_352 : i32
    %dma_start3A_354 = arith.constant 1 : i32
    %dma_start3A_355 = arith.constant 0 : i32
    %dma_start3A_356 = arith.constant 0 : i32
    %dma_start3A_357 = tpu.memref_slice %arg5[%dma_start3A_355, %dma_start3A_356] : memref<16x3840xf32, #tpu.memory_space<vmem>> -> memref<16x3840xf32, #tpu.memory_space<vmem>>
    %dma_start3A_358 = arith.constant 0 : i32
    %dma_start3A_359 = tpu.memref_slice %arg2[%dma_start3A_358, %add3A_353] : memref<16x1000000xf32, #tpu.memory_space<hbm>> -> memref<16x3840xf32, #tpu.memory_space<hbm>>
    %dma_start3A_360 = tpu.memref_slice %arg6[%dma_start3A_354] : memref<2x!tpu.dma_semaphore, #tpu.memory_space<semaphore_mem>> -> memref<1x!tpu.dma_semaphore, #tpu.memory_space<semaphore_mem>>
    %dma_start3A_361 = tpu.memref_squeeze %dma_start3A_360 : memref<1x!tpu.dma_semaphore, #tpu.memory_space<semaphore_mem>> -> memref<!tpu.dma_semaphore, #tpu.memory_space<semaphore_mem>>
    %dma_start3A_362 = arith.constant 0 : i32
    %dma_start3A_363 = arith.constant 0 : i32
    %dma_start3A_364 = tpu.memref_slice %arg5[%dma_start3A_362, %dma_start3A_363] : memref<16x3840xf32, #tpu.memory_space<vmem>> -> memref<16x3840xf32, #tpu.memory_space<vmem>>
    %dma_start3A_365 = arith.constant 0 : i32
    %dma_start3A_366 = tpu.memref_slice %arg2[%dma_start3A_365, %add3A_353] : memref<16x1000000xf32, #tpu.memory_space<hbm>> -> memref<16x3840xf32, #tpu.memory_space<hbm>>
    tpu.enqueue_dma source(%dma_start3A_366 : memref<16x3840xf32, #tpu.memory_space<hbm>>) target(%dma_start3A_364 : memref<16x3840xf32, #tpu.memory_space<vmem>>) target_semaphore(%dma_start3A_361 : memref<!tpu.dma_semaphore, #tpu.memory_space<semaphore_mem>>)
    %dma_wait3A_367 = arith.constant 0 : i32
    %dma_wait3A_368 = arith.constant 0 : i32
    %dma_wait3A_369 = arith.constant 0 : i32
    %dma_wait3A_370 = tpu.memref_slice %arg4[%dma_wait3A_368, %dma_wait3A_369] : memref<16x3840xf32, #tpu.memory_space<vmem>> -> memref<16x3840xf32, #tpu.memory_space<vmem>>
    %dma_wait3A_371 = arith.constant 0 : i32
    %dma_wait3A_372 = tpu.memref_slice %arg2[%dma_wait3A_371, %add3A_297] : memref<16x1000000xf32, #tpu.memory_space<hbm>> -> memref<16x3840xf32, #tpu.memory_space<hbm>>
    %dma_wait3A_373 = tpu.memref_slice %arg6[%dma_wait3A_367] : memref<2x!tpu.dma_semaphore, #tpu.memory_space<semaphore_mem>> -> memref<1x!tpu.dma_semaphore, #tpu.memory_space<semaphore_mem>>
    %dma_wait3A_374 = tpu.memref_squeeze %dma_wait3A_373 : memref<1x!tpu.dma_semaphore, #tpu.memory_space<semaphore_mem>> -> memref<!tpu.dma_semaphore, #tpu.memory_space<semaphore_mem>>
    %dma_wait3A_375 = arith.constant 0 : i32
    %dma_wait3A_376 = arith.constant 0 : i32
    %dma_wait3A_377 = tpu.memref_slice %arg4[%dma_wait3A_375, %dma_wait3A_376] : memref<16x3840xf32, #tpu.memory_space<vmem>> -> memref<16x3840xf32, #tpu.memory_space<vmem>>
    %dma_wait3A_378 = arith.constant 0 : i32
    %dma_wait3A_379 = tpu.memref_slice %arg2[%dma_wait3A_378, %add3A_297] : memref<16x1000000xf32, #tpu.memory_space<hbm>> -> memref<16x3840xf32, #tpu.memory_space<hbm>>
    tpu.wait_dma2 semaphore(%dma_wait3A_374 : memref<!tpu.dma_semaphore, #tpu.memory_space<semaphore_mem>>) src(%dma_wait3A_379 : memref<16x3840xf32, #tpu.memory_space<hbm>>) dst(%dma_wait3A_377 : memref<16x3840xf32, #tpu.memory_space<vmem>>)
    %add3A_380 = arith.constant 23040 : i32
    %add3A_381 = arith.addi %multiple_of3A, %add3A_380 : i32
    %dma_start3A_382 = arith.constant 0 : i32
    %dma_start3A_383 = arith.constant 0 : i32
    %dma_start3A_384 = arith.constant 0 : i32
    %dma_start3A_385 = tpu.memref_slice %arg4[%dma_start3A_383, %dma_start3A_384] : memref<16x3840xf32, #tpu.memory_space<vmem>> -> memref<16x3840xf32, #tpu.memory_space<vmem>>
    %dma_start3A_386 = arith.constant 0 : i32
    %dma_start3A_387 = tpu.memref_slice %arg3[%dma_start3A_386, %add3A_381] : memref<16x1000000xf32, #tpu.memory_space<hbm>> -> memref<16x3840xf32, #tpu.memory_space<hbm>>
    %dma_start3A_388 = tpu.memref_slice %arg7[%dma_start3A_382] : memref<2x!tpu.dma_semaphore, #tpu.memory_space<semaphore_mem>> -> memref<1x!tpu.dma_semaphore, #tpu.memory_space<semaphore_mem>>
    %dma_start3A_389 = tpu.memref_squeeze %dma_start3A_388 : memref<1x!tpu.dma_semaphore, #tpu.memory_space<semaphore_mem>> -> memref<!tpu.dma_semaphore, #tpu.memory_space<semaphore_mem>>
    %dma_start3A_390 = arith.constant 0 : i32
    %dma_start3A_391 = tpu.memref_slice %arg3[%dma_start3A_390, %add3A_381] : memref<16x1000000xf32, #tpu.memory_space<hbm>> -> memref<16x3840xf32, #tpu.memory_space<hbm>>
    %dma_start3A_392 = arith.constant 0 : i32
    %dma_start3A_393 = arith.constant 0 : i32
    %dma_start3A_394 = tpu.memref_slice %arg4[%dma_start3A_392, %dma_start3A_393] : memref<16x3840xf32, #tpu.memory_space<vmem>> -> memref<16x3840xf32, #tpu.memory_space<vmem>>
    tpu.enqueue_dma source(%dma_start3A_394 : memref<16x3840xf32, #tpu.memory_space<vmem>>) target(%dma_start3A_391 : memref<16x3840xf32, #tpu.memory_space<hbm>>) target_semaphore(%dma_start3A_389 : memref<!tpu.dma_semaphore, #tpu.memory_space<semaphore_mem>>)
    %dma_wait3A_395 = arith.constant 0 : i32
    %dma_wait3A_396 = arith.constant 0 : i32
    %dma_wait3A_397 = arith.constant 0 : i32
    %dma_wait3A_398 = tpu.memref_slice %arg4[%dma_wait3A_396, %dma_wait3A_397] : memref<16x3840xf32, #tpu.memory_space<vmem>> -> memref<16x3840xf32, #tpu.memory_space<vmem>>
    %dma_wait3A_399 = arith.constant 0 : i32
    %dma_wait3A_400 = tpu.memref_slice %arg3[%dma_wait3A_399, %add3A_381] : memref<16x1000000xf32, #tpu.memory_space<hbm>> -> memref<16x3840xf32, #tpu.memory_space<hbm>>
    %dma_wait3A_401 = tpu.memref_slice %arg7[%dma_wait3A_395] : memref<2x!tpu.dma_semaphore, #tpu.memory_space<semaphore_mem>> -> memref<1x!tpu.dma_semaphore, #tpu.memory_space<semaphore_mem>>
    %dma_wait3A_402 = tpu.memref_squeeze %dma_wait3A_401 : memref<1x!tpu.dma_semaphore, #tpu.memory_space<semaphore_mem>> -> memref<!tpu.dma_semaphore, #tpu.memory_space<semaphore_mem>>
    %dma_wait3A_403 = arith.constant 0 : i32
    %dma_wait3A_404 = tpu.memref_slice %arg3[%dma_wait3A_403, %add3A_381] : memref<16x1000000xf32, #tpu.memory_space<hbm>> -> memref<16x3840xf32, #tpu.memory_space<hbm>>
    %dma_wait3A_405 = arith.constant 0 : i32
    %dma_wait3A_406 = arith.constant 0 : i32
    %dma_wait3A_407 = tpu.memref_slice %arg4[%dma_wait3A_405, %dma_wait3A_406] : memref<16x3840xf32, #tpu.memory_space<vmem>> -> memref<16x3840xf32, #tpu.memory_space<vmem>>
    tpu.wait_dma2 semaphore(%dma_wait3A_402 : memref<!tpu.dma_semaphore, #tpu.memory_space<semaphore_mem>>) src(%dma_wait3A_407 : memref<16x3840xf32, #tpu.memory_space<vmem>>) dst(%dma_wait3A_404 : memref<16x3840xf32, #tpu.memory_space<hbm>>)
    %add3A_408 = arith.constant 30720 : i32
    %add3A_409 = arith.addi %multiple_of3A, %add3A_408 : i32
    %dma_start3A_410 = arith.constant 0 : i32
    %dma_start3A_411 = arith.constant 0 : i32
    %dma_start3A_412 = arith.constant 0 : i32
    %dma_start3A_413 = tpu.memref_slice %arg4[%dma_start3A_411, %dma_start3A_412] : memref<16x3840xf32, #tpu.memory_space<vmem>> -> memref<16x512xf32, #tpu.memory_space<vmem>>
    %dma_start3A_414 = arith.constant 0 : i32
    %dma_start3A_415 = tpu.memref_slice %arg2[%dma_start3A_414, %add3A_409] : memref<16x1000000xf32, #tpu.memory_space<hbm>> -> memref<16x512xf32, #tpu.memory_space<hbm>>
    %dma_start3A_416 = tpu.memref_slice %arg6[%dma_start3A_410] : memref<2x!tpu.dma_semaphore, #tpu.memory_space<semaphore_mem>> -> memref<1x!tpu.dma_semaphore, #tpu.memory_space<semaphore_mem>>
    %dma_start3A_417 = tpu.memref_squeeze %dma_start3A_416 : memref<1x!tpu.dma_semaphore, #tpu.memory_space<semaphore_mem>> -> memref<!tpu.dma_semaphore, #tpu.memory_space<semaphore_mem>>
    %dma_start3A_418 = arith.constant 0 : i32
    %dma_start3A_419 = arith.constant 0 : i32
    %dma_start3A_420 = tpu.memref_slice %arg4[%dma_start3A_418, %dma_start3A_419] : memref<16x3840xf32, #tpu.memory_space<vmem>> -> memref<16x512xf32, #tpu.memory_space<vmem>>
    %dma_start3A_421 = arith.constant 0 : i32
    %dma_start3A_422 = tpu.memref_slice %arg2[%dma_start3A_421, %add3A_409] : memref<16x1000000xf32, #tpu.memory_space<hbm>> -> memref<16x512xf32, #tpu.memory_space<hbm>>
    tpu.enqueue_dma source(%dma_start3A_422 : memref<16x512xf32, #tpu.memory_space<hbm>>) target(%dma_start3A_420 : memref<16x512xf32, #tpu.memory_space<vmem>>) target_semaphore(%dma_start3A_417 : memref<!tpu.dma_semaphore, #tpu.memory_space<semaphore_mem>>)
    %dma_wait3A_423 = arith.constant 1 : i32
    %dma_wait3A_424 = arith.constant 0 : i32
    %dma_wait3A_425 = arith.constant 0 : i32
    %dma_wait3A_426 = tpu.memref_slice %arg5[%dma_wait3A_424, %dma_wait3A_425] : memref<16x3840xf32, #tpu.memory_space<vmem>> -> memref<16x3840xf32, #tpu.memory_space<vmem>>
    %dma_wait3A_427 = arith.constant 0 : i32
    %dma_wait3A_428 = tpu.memref_slice %arg2[%dma_wait3A_427, %add3A_353] : memref<16x1000000xf32, #tpu.memory_space<hbm>> -> memref<16x3840xf32, #tpu.memory_space<hbm>>
    %dma_wait3A_429 = tpu.memref_slice %arg6[%dma_wait3A_423] : memref<2x!tpu.dma_semaphore, #tpu.memory_space<semaphore_mem>> -> memref<1x!tpu.dma_semaphore, #tpu.memory_space<semaphore_mem>>
    %dma_wait3A_430 = tpu.memref_squeeze %dma_wait3A_429 : memref<1x!tpu.dma_semaphore, #tpu.memory_space<semaphore_mem>> -> memref<!tpu.dma_semaphore, #tpu.memory_space<semaphore_mem>>
    %dma_wait3A_431 = arith.constant 0 : i32
    %dma_wait3A_432 = arith.constant 0 : i32
    %dma_wait3A_433 = tpu.memref_slice %arg5[%dma_wait3A_431, %dma_wait3A_432] : memref<16x3840xf32, #tpu.memory_space<vmem>> -> memref<16x3840xf32, #tpu.memory_space<vmem>>
    %dma_wait3A_434 = arith.constant 0 : i32
    %dma_wait3A_435 = tpu.memref_slice %arg2[%dma_wait3A_434, %add3A_353] : memref<16x1000000xf32, #tpu.memory_space<hbm>> -> memref<16x3840xf32, #tpu.memory_space<hbm>>
    tpu.wait_dma2 semaphore(%dma_wait3A_430 : memref<!tpu.dma_semaphore, #tpu.memory_space<semaphore_mem>>) src(%dma_wait3A_435 : memref<16x3840xf32, #tpu.memory_space<hbm>>) dst(%dma_wait3A_433 : memref<16x3840xf32, #tpu.memory_space<vmem>>)
    %add3A_436 = arith.constant 26880 : i32
    %add3A_437 = arith.addi %multiple_of3A, %add3A_436 : i32
    %dma_start3A_438 = arith.constant 1 : i32
    %dma_start3A_439 = arith.constant 0 : i32
    %dma_start3A_440 = arith.constant 0 : i32
    %dma_start3A_441 = tpu.memref_slice %arg5[%dma_start3A_439, %dma_start3A_440] : memref<16x3840xf32, #tpu.memory_space<vmem>> -> memref<16x3840xf32, #tpu.memory_space<vmem>>
    %dma_start3A_442 = arith.constant 0 : i32
    %dma_start3A_443 = tpu.memref_slice %arg3[%dma_start3A_442, %add3A_437] : memref<16x1000000xf32, #tpu.memory_space<hbm>> -> memref<16x3840xf32, #tpu.memory_space<hbm>>
    %dma_start3A_444 = tpu.memref_slice %arg7[%dma_start3A_438] : memref<2x!tpu.dma_semaphore, #tpu.memory_space<semaphore_mem>> -> memref<1x!tpu.dma_semaphore, #tpu.memory_space<semaphore_mem>>
    %dma_start3A_445 = tpu.memref_squeeze %dma_start3A_444 : memref<1x!tpu.dma_semaphore, #tpu.memory_space<semaphore_mem>> -> memref<!tpu.dma_semaphore, #tpu.memory_space<semaphore_mem>>
    %dma_start3A_446 = arith.constant 0 : i32
    %dma_start3A_447 = tpu.memref_slice %arg3[%dma_start3A_446, %add3A_437] : memref<16x1000000xf32, #tpu.memory_space<hbm>> -> memref<16x3840xf32, #tpu.memory_space<hbm>>
    %dma_start3A_448 = arith.constant 0 : i32
    %dma_start3A_449 = arith.constant 0 : i32
    %dma_start3A_450 = tpu.memref_slice %arg5[%dma_start3A_448, %dma_start3A_449] : memref<16x3840xf32, #tpu.memory_space<vmem>> -> memref<16x3840xf32, #tpu.memory_space<vmem>>
    tpu.enqueue_dma source(%dma_start3A_450 : memref<16x3840xf32, #tpu.memory_space<vmem>>) target(%dma_start3A_447 : memref<16x3840xf32, #tpu.memory_space<hbm>>) target_semaphore(%dma_start3A_445 : memref<!tpu.dma_semaphore, #tpu.memory_space<semaphore_mem>>)
    %dma_wait3A_451 = arith.constant 0 : i32
    %dma_wait3A_452 = arith.constant 0 : i32
    %dma_wait3A_453 = arith.constant 0 : i32
    %dma_wait3A_454 = tpu.memref_slice %arg4[%dma_wait3A_452, %dma_wait3A_453] : memref<16x3840xf32, #tpu.memory_space<vmem>> -> memref<16x512xf32, #tpu.memory_space<vmem>>
    %dma_wait3A_455 = arith.constant 0 : i32
    %dma_wait3A_456 = tpu.memref_slice %arg2[%dma_wait3A_455, %add3A_409] : memref<16x1000000xf32, #tpu.memory_space<hbm>> -> memref<16x512xf32, #tpu.memory_space<hbm>>
    %dma_wait3A_457 = tpu.memref_slice %arg6[%dma_wait3A_451] : memref<2x!tpu.dma_semaphore, #tpu.memory_space<semaphore_mem>> -> memref<1x!tpu.dma_semaphore, #tpu.memory_space<semaphore_mem>>
    %dma_wait3A_458 = tpu.memref_squeeze %dma_wait3A_457 : memref<1x!tpu.dma_semaphore, #tpu.memory_space<semaphore_mem>> -> memref<!tpu.dma_semaphore, #tpu.memory_space<semaphore_mem>>
    %dma_wait3A_459 = arith.constant 0 : i32
    %dma_wait3A_460 = arith.constant 0 : i32
    %dma_wait3A_461 = tpu.memref_slice %arg4[%dma_wait3A_459, %dma_wait3A_460] : memref<16x3840xf32, #tpu.memory_space<vmem>> -> memref<16x512xf32, #tpu.memory_space<vmem>>
    %dma_wait3A_462 = arith.constant 0 : i32
    %dma_wait3A_463 = tpu.memref_slice %arg2[%dma_wait3A_462, %add3A_409] : memref<16x1000000xf32, #tpu.memory_space<hbm>> -> memref<16x512xf32, #tpu.memory_space<hbm>>
    tpu.wait_dma2 semaphore(%dma_wait3A_458 : memref<!tpu.dma_semaphore, #tpu.memory_space<semaphore_mem>>) src(%dma_wait3A_463 : memref<16x512xf32, #tpu.memory_space<hbm>>) dst(%dma_wait3A_461 : memref<16x512xf32, #tpu.memory_space<vmem>>)
    %add3A_464 = arith.constant 30720 : i32
    %add3A_465 = arith.addi %multiple_of3A, %add3A_464 : i32
    %dma_start3A_466 = arith.constant 0 : i32
    %dma_start3A_467 = arith.constant 0 : i32
    %dma_start3A_468 = arith.constant 0 : i32
    %dma_start3A_469 = tpu.memref_slice %arg4[%dma_start3A_467, %dma_start3A_468] : memref<16x3840xf32, #tpu.memory_space<vmem>> -> memref<16x512xf32, #tpu.memory_space<vmem>>
    %dma_start3A_470 = arith.constant 0 : i32
    %dma_start3A_471 = tpu.memref_slice %arg3[%dma_start3A_470, %add3A_465] : memref<16x1000000xf32, #tpu.memory_space<hbm>> -> memref<16x512xf32, #tpu.memory_space<hbm>>
    %dma_start3A_472 = tpu.memref_slice %arg7[%dma_start3A_466] : memref<2x!tpu.dma_semaphore, #tpu.memory_space<semaphore_mem>> -> memref<1x!tpu.dma_semaphore, #tpu.memory_space<semaphore_mem>>
    %dma_start3A_473 = tpu.memref_squeeze %dma_start3A_472 : memref<1x!tpu.dma_semaphore, #tpu.memory_space<semaphore_mem>> -> memref<!tpu.dma_semaphore, #tpu.memory_space<semaphore_mem>>
    %dma_start3A_474 = arith.constant 0 : i32
    %dma_start3A_475 = tpu.memref_slice %arg3[%dma_start3A_474, %add3A_465] : memref<16x1000000xf32, #tpu.memory_space<hbm>> -> memref<16x512xf32, #tpu.memory_space<hbm>>
    %dma_start3A_476 = arith.constant 0 : i32
    %dma_start3A_477 = arith.constant 0 : i32
    %dma_start3A_478 = tpu.memref_slice %arg4[%dma_start3A_476, %dma_start3A_477] : memref<16x3840xf32, #tpu.memory_space<vmem>> -> memref<16x512xf32, #tpu.memory_space<vmem>>
    tpu.enqueue_dma source(%dma_start3A_478 : memref<16x512xf32, #tpu.memory_space<vmem>>) target(%dma_start3A_475 : memref<16x512xf32, #tpu.memory_space<hbm>>) target_semaphore(%dma_start3A_473 : memref<!tpu.dma_semaphore, #tpu.memory_space<semaphore_mem>>)
    %dma_wait3A_479 = arith.constant 1 : i32
    %dma_wait3A_480 = arith.constant 0 : i32
    %dma_wait3A_481 = arith.constant 0 : i32
    %dma_wait3A_482 = tpu.memref_slice %arg5[%dma_wait3A_480, %dma_wait3A_481] : memref<16x3840xf32, #tpu.memory_space<vmem>> -> memref<16x3840xf32, #tpu.memory_space<vmem>>
    %dma_wait3A_483 = arith.constant 0 : i32
    %dma_wait3A_484 = tpu.memref_slice %arg3[%dma_wait3A_483, %add3A_437] : memref<16x1000000xf32, #tpu.memory_space<hbm>> -> memref<16x3840xf32, #tpu.memory_space<hbm>>
    %dma_wait3A_485 = tpu.memref_slice %arg7[%dma_wait3A_479] : memref<2x!tpu.dma_semaphore, #tpu.memory_space<semaphore_mem>> -> memref<1x!tpu.dma_semaphore, #tpu.memory_space<semaphore_mem>>
    %dma_wait3A_486 = tpu.memref_squeeze %dma_wait3A_485 : memref<1x!tpu.dma_semaphore, #tpu.memory_space<semaphore_mem>> -> memref<!tpu.dma_semaphore, #tpu.memory_space<semaphore_mem>>
    %dma_wait3A_487 = arith.constant 0 : i32
    %dma_wait3A_488 = tpu.memref_slice %arg3[%dma_wait3A_487, %add3A_437] : memref<16x1000000xf32, #tpu.memory_space<hbm>> -> memref<16x3840xf32, #tpu.memory_space<hbm>>
    %dma_wait3A_489 = arith.constant 0 : i32
    %dma_wait3A_490 = arith.constant 0 : i32
    %dma_wait3A_491 = tpu.memref_slice %arg5[%dma_wait3A_489, %dma_wait3A_490] : memref<16x3840xf32, #tpu.memory_space<vmem>> -> memref<16x3840xf32, #tpu.memory_space<vmem>>
    tpu.wait_dma2 semaphore(%dma_wait3A_486 : memref<!tpu.dma_semaphore, #tpu.memory_space<semaphore_mem>>) src(%dma_wait3A_491 : memref<16x3840xf32, #tpu.memory_space<vmem>>) dst(%dma_wait3A_488 : memref<16x3840xf32, #tpu.memory_space<hbm>>)
    %dma_wait3A_492 = arith.constant 0 : i32
    %dma_wait3A_493 = arith.constant 0 : i32
    %dma_wait3A_494 = arith.constant 0 : i32
    %dma_wait3A_495 = tpu.memref_slice %arg4[%dma_wait3A_493, %dma_wait3A_494] : memref<16x3840xf32, #tpu.memory_space<vmem>> -> memref<16x512xf32, #tpu.memory_space<vmem>>
    %dma_wait3A_496 = arith.constant 0 : i32
    %dma_wait3A_497 = tpu.memref_slice %arg3[%dma_wait3A_496, %add3A_465] : memref<16x1000000xf32, #tpu.memory_space<hbm>> -> memref<16x512xf32, #tpu.memory_space<hbm>>
    %dma_wait3A_498 = tpu.memref_slice %arg7[%dma_wait3A_492] : memref<2x!tpu.dma_semaphore, #tpu.memory_space<semaphore_mem>> -> memref<1x!tpu.dma_semaphore, #tpu.memory_space<semaphore_mem>>
    %dma_wait3A_499 = tpu.memref_squeeze %dma_wait3A_498 : memref<1x!tpu.dma_semaphore, #tpu.memory_space<semaphore_mem>> -> memref<!tpu.dma_semaphore, #tpu.memory_space<semaphore_mem>>
    %dma_wait3A_500 = arith.constant 0 : i32
    %dma_wait3A_501 = tpu.memref_slice %arg3[%dma_wait3A_500, %add3A_465] : memref<16x1000000xf32, #tpu.memory_space<hbm>> -> memref<16x512xf32, #tpu.memory_space<hbm>>
    %dma_wait3A_502 = arith.constant 0 : i32
    %dma_wait3A_503 = arith.constant 0 : i32
    %dma_wait3A_504 = tpu.memref_slice %arg4[%dma_wait3A_502, %dma_wait3A_503] : memref<16x3840xf32, #tpu.memory_space<vmem>> -> memref<16x512xf32, #tpu.memory_space<vmem>>
    tpu.wait_dma2 semaphore(%dma_wait3A_499 : memref<!tpu.dma_semaphore, #tpu.memory_space<semaphore_mem>>) src(%dma_wait3A_504 : memref<16x512xf32, #tpu.memory_space<vmem>>) dst(%dma_wait3A_501 : memref<16x512xf32, #tpu.memory_space<hbm>>)
    %lt3A = arith.constant 4 : i32
    %lt3A_505 = arith.cmpi slt, %add3A, %lt3A : i32
    %convert_element_type3A = arith.extui %lt3A_505 : i1 to i32
    %cond3A = arith.constant 0 : i32
    %cond3A_506 = arith.cmpi ne, %convert_element_type3A, %cond3A : i32
    scf.if %cond3A_506 {
      %mul3A_507 = arith.constant 128 : i32
      %mul3A_508 = arith.muli %add3A, %mul3A_507 : i32
      %add3A_509 = arith.constant 999424 : i32
      %add3A_510 = arith.addi %add3A_509, %mul3A_508 : i32
      %multiple_of3A_511 = tpu.assume_multiple %add3A_510, 128 : i32
      %dma_start3A_512 = arith.constant 0 : i32
      %dma_start3A_513 = arith.constant 0 : i32
      %dma_start3A_514 = arith.constant 0 : i32
      %dma_start3A_515 = tpu.memref_slice %arg4[%dma_start3A_513, %dma_start3A_514] : memref<16x3840xf32, #tpu.memory_space<vmem>> -> memref<16x128xf32, #tpu.memory_space<vmem>>
      %dma_start3A_516 = arith.constant 0 : i32
      %dma_start3A_517 = tpu.memref_slice %arg2[%dma_start3A_516, %multiple_of3A_511] : memref<16x1000000xf32, #tpu.memory_space<hbm>> -> memref<16x128xf32, #tpu.memory_space<hbm>>
      %dma_start3A_518 = tpu.memref_slice %arg6[%dma_start3A_512] : memref<2x!tpu.dma_semaphore, #tpu.memory_space<semaphore_mem>> -> memref<1x!tpu.dma_semaphore, #tpu.memory_space<semaphore_mem>>
      %dma_start3A_519 = tpu.memref_squeeze %dma_start3A_518 : memref<1x!tpu.dma_semaphore, #tpu.memory_space<semaphore_mem>> -> memref<!tpu.dma_semaphore, #tpu.memory_space<semaphore_mem>>
      %dma_start3A_520 = arith.constant 0 : i32
      %dma_start3A_521 = arith.constant 0 : i32
      %dma_start3A_522 = tpu.memref_slice %arg4[%dma_start3A_520, %dma_start3A_521] : memref<16x3840xf32, #tpu.memory_space<vmem>> -> memref<16x128xf32, #tpu.memory_space<vmem>>
      %dma_start3A_523 = arith.constant 0 : i32
      %dma_start3A_524 = tpu.memref_slice %arg2[%dma_start3A_523, %multiple_of3A_511] : memref<16x1000000xf32, #tpu.memory_space<hbm>> -> memref<16x128xf32, #tpu.memory_space<hbm>>
      tpu.enqueue_dma source(%dma_start3A_524 : memref<16x128xf32, #tpu.memory_space<hbm>>) target(%dma_start3A_522 : memref<16x128xf32, #tpu.memory_space<vmem>>) target_semaphore(%dma_start3A_519 : memref<!tpu.dma_semaphore, #tpu.memory_space<semaphore_mem>>)
      %dma_wait3A_525 = arith.constant 0 : i32
      %dma_wait3A_526 = arith.constant 0 : i32
      %dma_wait3A_527 = arith.constant 0 : i32
      %dma_wait3A_528 = tpu.memref_slice %arg4[%dma_wait3A_526, %dma_wait3A_527] : memref<16x3840xf32, #tpu.memory_space<vmem>> -> memref<16x128xf32, #tpu.memory_space<vmem>>
      %dma_wait3A_529 = arith.constant 0 : i32
      %dma_wait3A_530 = tpu.memref_slice %arg2[%dma_wait3A_529, %multiple_of3A_511] : memref<16x1000000xf32, #tpu.memory_space<hbm>> -> memref<16x128xf32, #tpu.memory_space<hbm>>
      %dma_wait3A_531 = tpu.memref_slice %arg6[%dma_wait3A_525] : memref<2x!tpu.dma_semaphore, #tpu.memory_space<semaphore_mem>> -> memref<1x!tpu.dma_semaphore, #tpu.memory_space<semaphore_mem>>
      %dma_wait3A_532 = tpu.memref_squeeze %dma_wait3A_531 : memref<1x!tpu.dma_semaphore, #tpu.memory_space<semaphore_mem>> -> memref<!tpu.dma_semaphore, #tpu.memory_space<semaphore_mem>>
      %dma_wait3A_533 = arith.constant 0 : i32
      %dma_wait3A_534 = arith.constant 0 : i32
      %dma_wait3A_535 = tpu.memref_slice %arg4[%dma_wait3A_533, %dma_wait3A_534] : memref<16x3840xf32, #tpu.memory_space<vmem>> -> memref<16x128xf32, #tpu.memory_space<vmem>>
      %dma_wait3A_536 = arith.constant 0 : i32
      %dma_wait3A_537 = tpu.memref_slice %arg2[%dma_wait3A_536, %multiple_of3A_511] : memref<16x1000000xf32, #tpu.memory_space<hbm>> -> memref<16x128xf32, #tpu.memory_space<hbm>>
      tpu.wait_dma2 semaphore(%dma_wait3A_532 : memref<!tpu.dma_semaphore, #tpu.memory_space<semaphore_mem>>) src(%dma_wait3A_537 : memref<16x128xf32, #tpu.memory_space<hbm>>) dst(%dma_wait3A_535 : memref<16x128xf32, #tpu.memory_space<vmem>>)
      %dma_start3A_538 = arith.constant 0 : i32
      %dma_start3A_539 = arith.constant 0 : i32
      %dma_start3A_540 = arith.constant 0 : i32
      %dma_start3A_541 = tpu.memref_slice %arg4[%dma_start3A_539, %dma_start3A_540] : memref<16x3840xf32, #tpu.memory_space<vmem>> -> memref<16x128xf32, #tpu.memory_space<vmem>>
      %dma_start3A_542 = arith.constant 0 : i32
      %dma_start3A_543 = tpu.memref_slice %arg3[%dma_start3A_542, %multiple_of3A_511] : memref<16x1000000xf32, #tpu.memory_space<hbm>> -> memref<16x128xf32, #tpu.memory_space<hbm>>
      %dma_start3A_544 = tpu.memref_slice %arg7[%dma_start3A_538] : memref<2x!tpu.dma_semaphore, #tpu.memory_space<semaphore_mem>> -> memref<1x!tpu.dma_semaphore, #tpu.memory_space<semaphore_mem>>
      %dma_start3A_545 = tpu.memref_squeeze %dma_start3A_544 : memref<1x!tpu.dma_semaphore, #tpu.memory_space<semaphore_mem>> -> memref<!tpu.dma_semaphore, #tpu.memory_space<semaphore_mem>>
      %dma_start3A_546 = arith.constant 0 : i32
      %dma_start3A_547 = tpu.memref_slice %arg3[%dma_start3A_546, %multiple_of3A_511] : memref<16x1000000xf32, #tpu.memory_space<hbm>> -> memref<16x128xf32, #tpu.memory_space<hbm>>
      %dma_start3A_548 = arith.constant 0 : i32
      %dma_start3A_549 = arith.constant 0 : i32
      %dma_start3A_550 = tpu.memref_slice %arg4[%dma_start3A_548, %dma_start3A_549] : memref<16x3840xf32, #tpu.memory_space<vmem>> -> memref<16x128xf32, #tpu.memory_space<vmem>>
      tpu.enqueue_dma source(%dma_start3A_550 : memref<16x128xf32, #tpu.memory_space<vmem>>) target(%dma_start3A_547 : memref<16x128xf32, #tpu.memory_space<hbm>>) target_semaphore(%dma_start3A_545 : memref<!tpu.dma_semaphore, #tpu.memory_space<semaphore_mem>>)
      %dma_wait3A_551 = arith.constant 0 : i32
      %dma_wait3A_552 = arith.constant 0 : i32
      %dma_wait3A_553 = arith.constant 0 : i32
      %dma_wait3A_554 = tpu.memref_slice %arg4[%dma_wait3A_552, %dma_wait3A_553] : memref<16x3840xf32, #tpu.memory_space<vmem>> -> memref<16x128xf32, #tpu.memory_space<vmem>>
      %dma_wait3A_555 = arith.constant 0 : i32
      %dma_wait3A_556 = tpu.memref_slice %arg3[%dma_wait3A_555, %multiple_of3A_511] : memref<16x1000000xf32, #tpu.memory_space<hbm>> -> memref<16x128xf32, #tpu.memory_space<hbm>>
      %dma_wait3A_557 = tpu.memref_slice %arg7[%dma_wait3A_551] : memref<2x!tpu.dma_semaphore, #tpu.memory_space<semaphore_mem>> -> memref<1x!tpu.dma_semaphore, #tpu.memory_space<semaphore_mem>>
      %dma_wait3A_558 = tpu.memref_squeeze %dma_wait3A_557 : memref<1x!tpu.dma_semaphore, #tpu.memory_space<semaphore_mem>> -> memref<!tpu.dma_semaphore, #tpu.memory_space<semaphore_mem>>
      %dma_wait3A_559 = arith.constant 0 : i32
      %dma_wait3A_560 = tpu.memref_slice %arg3[%dma_wait3A_559, %multiple_of3A_511] : memref<16x1000000xf32, #tpu.memory_space<hbm>> -> memref<16x128xf32, #tpu.memory_space<hbm>>
      %dma_wait3A_561 = arith.constant 0 : i32
      %dma_wait3A_562 = arith.constant 0 : i32
      %dma_wait3A_563 = tpu.memref_slice %arg4[%dma_wait3A_561, %dma_wait3A_562] : memref<16x3840xf32, #tpu.memory_space<vmem>> -> memref<16x128xf32, #tpu.memory_space<vmem>>
      tpu.wait_dma2 semaphore(%dma_wait3A_558 : memref<!tpu.dma_semaphore, #tpu.memory_space<semaphore_mem>>) src(%dma_wait3A_563 : memref<16x128xf32, #tpu.memory_space<vmem>>) dst(%dma_wait3A_560 : memref<16x128xf32, #tpu.memory_space<hbm>>)
    } else {
    }
    return
  }
}

module attributes {stable_mosaic.version = 14 : i64} {
  func.func @tc_body(%arg0: memref<16x1000000xf32, #tpu.memory_space<hbm>>, %arg1: memref<16x1000000xf32, #tpu.memory_space<hbm>>, %arg2: memref<16x83328xf32, #tpu.memory_space<vmem>>, %arg3: memref<16x83328xf32, #tpu.memory_space<vmem>>, %arg4: memref<16x83328xf32, #tpu.memory_space<vmem>>, %arg5: memref<3x!tpu.dma_semaphore, #tpu.memory_space<semaphore_mem>>, %arg6: memref<3x!tpu.dma_semaphore, #tpu.memory_space<semaphore_mem>>) attributes {dimension_semantics = [], scalar_prefetch = 0 : i64, scratch_operands = 5 : i64, tpu.core_type = #tpu.core_type<tc>} {
    %dma_start3A = arith.constant 0 : i32
    %dma_start3A_0 = tpu.memref_slice %arg5[%dma_start3A] : memref<3x!tpu.dma_semaphore, #tpu.memory_space<semaphore_mem>> -> memref<1x!tpu.dma_semaphore, #tpu.memory_space<semaphore_mem>>
    %dma_start3A_1 = tpu.memref_squeeze %dma_start3A_0 : memref<1x!tpu.dma_semaphore, #tpu.memory_space<semaphore_mem>> -> memref<!tpu.dma_semaphore, #tpu.memory_space<semaphore_mem>>
    %dma_start3A_2 = arith.constant 0 : i32
    %dma_start3A_3 = arith.constant 0 : i32
    %dma_start3A_4 = tpu.memref_slice %arg2[%dma_start3A_2, %dma_start3A_3] : memref<16x83328xf32, #tpu.memory_space<vmem>> -> memref<16x83328xf32, #tpu.memory_space<vmem>>
    %dma_start3A_5 = arith.constant 0 : i32
    %dma_start3A_6 = arith.constant 0 : i32
    %dma_start3A_7 = tpu.memref_slice %arg0[%dma_start3A_5, %dma_start3A_6] : memref<16x1000000xf32, #tpu.memory_space<hbm>> -> memref<16x83328xf32, #tpu.memory_space<hbm>>
    tpu.enqueue_dma source(%dma_start3A_7 : memref<16x83328xf32, #tpu.memory_space<hbm>>) target(%dma_start3A_4 : memref<16x83328xf32, #tpu.memory_space<vmem>>) target_semaphore(%dma_start3A_1 : memref<!tpu.dma_semaphore, #tpu.memory_space<semaphore_mem>>)
    %dma_start3A_8 = arith.constant 1 : i32
    %dma_start3A_9 = tpu.memref_slice %arg5[%dma_start3A_8] : memref<3x!tpu.dma_semaphore, #tpu.memory_space<semaphore_mem>> -> memref<1x!tpu.dma_semaphore, #tpu.memory_space<semaphore_mem>>
    %dma_start3A_10 = tpu.memref_squeeze %dma_start3A_9 : memref<1x!tpu.dma_semaphore, #tpu.memory_space<semaphore_mem>> -> memref<!tpu.dma_semaphore, #tpu.memory_space<semaphore_mem>>
    %dma_start3A_11 = arith.constant 0 : i32
    %dma_start3A_12 = arith.constant 0 : i32
    %dma_start3A_13 = tpu.memref_slice %arg3[%dma_start3A_11, %dma_start3A_12] : memref<16x83328xf32, #tpu.memory_space<vmem>> -> memref<16x83328xf32, #tpu.memory_space<vmem>>
    %dma_start3A_14 = arith.constant 0 : i32
    %dma_start3A_15 = arith.constant 83328 : i32
    %dma_start3A_16 = tpu.memref_slice %arg0[%dma_start3A_14, %dma_start3A_15] : memref<16x1000000xf32, #tpu.memory_space<hbm>> -> memref<16x83328xf32, #tpu.memory_space<hbm>>
    tpu.enqueue_dma source(%dma_start3A_16 : memref<16x83328xf32, #tpu.memory_space<hbm>>) target(%dma_start3A_13 : memref<16x83328xf32, #tpu.memory_space<vmem>>) target_semaphore(%dma_start3A_10 : memref<!tpu.dma_semaphore, #tpu.memory_space<semaphore_mem>>)
    %dma_start3A_17 = arith.constant 2 : i32
    %dma_start3A_18 = tpu.memref_slice %arg5[%dma_start3A_17] : memref<3x!tpu.dma_semaphore, #tpu.memory_space<semaphore_mem>> -> memref<1x!tpu.dma_semaphore, #tpu.memory_space<semaphore_mem>>
    %dma_start3A_19 = tpu.memref_squeeze %dma_start3A_18 : memref<1x!tpu.dma_semaphore, #tpu.memory_space<semaphore_mem>> -> memref<!tpu.dma_semaphore, #tpu.memory_space<semaphore_mem>>
    %dma_start3A_20 = arith.constant 0 : i32
    %dma_start3A_21 = arith.constant 0 : i32
    %dma_start3A_22 = tpu.memref_slice %arg4[%dma_start3A_20, %dma_start3A_21] : memref<16x83328xf32, #tpu.memory_space<vmem>> -> memref<16x83328xf32, #tpu.memory_space<vmem>>
    %dma_start3A_23 = arith.constant 0 : i32
    %dma_start3A_24 = arith.constant 166656 : i32
    %dma_start3A_25 = tpu.memref_slice %arg0[%dma_start3A_23, %dma_start3A_24] : memref<16x1000000xf32, #tpu.memory_space<hbm>> -> memref<16x83328xf32, #tpu.memory_space<hbm>>
    tpu.enqueue_dma source(%dma_start3A_25 : memref<16x83328xf32, #tpu.memory_space<hbm>>) target(%dma_start3A_22 : memref<16x83328xf32, #tpu.memory_space<vmem>>) target_semaphore(%dma_start3A_19 : memref<!tpu.dma_semaphore, #tpu.memory_space<semaphore_mem>>)
    %dma_wait3A = arith.constant 0 : i32
    %dma_wait3A_26 = tpu.memref_slice %arg5[%dma_wait3A] : memref<3x!tpu.dma_semaphore, #tpu.memory_space<semaphore_mem>> -> memref<1x!tpu.dma_semaphore, #tpu.memory_space<semaphore_mem>>
    %dma_wait3A_27 = tpu.memref_squeeze %dma_wait3A_26 : memref<1x!tpu.dma_semaphore, #tpu.memory_space<semaphore_mem>> -> memref<!tpu.dma_semaphore, #tpu.memory_space<semaphore_mem>>
    %dma_wait3A_28 = arith.constant 0 : i32
    %dma_wait3A_29 = arith.constant 0 : i32
    %dma_wait3A_30 = tpu.memref_slice %arg2[%dma_wait3A_28, %dma_wait3A_29] : memref<16x83328xf32, #tpu.memory_space<vmem>> -> memref<16x83328xf32, #tpu.memory_space<vmem>>
    %dma_wait3A_31 = arith.constant 0 : i32
    %dma_wait3A_32 = arith.constant 0 : i32
    %dma_wait3A_33 = tpu.memref_slice %arg0[%dma_wait3A_31, %dma_wait3A_32] : memref<16x1000000xf32, #tpu.memory_space<hbm>> -> memref<16x83328xf32, #tpu.memory_space<hbm>>
    tpu.wait_dma2 semaphore(%dma_wait3A_27 : memref<!tpu.dma_semaphore, #tpu.memory_space<semaphore_mem>>) src(%dma_wait3A_33 : memref<16x83328xf32, #tpu.memory_space<hbm>>) dst(%dma_wait3A_30 : memref<16x83328xf32, #tpu.memory_space<vmem>>)
    %dma_start3A_34 = arith.constant 0 : i32
    %dma_start3A_35 = tpu.memref_slice %arg6[%dma_start3A_34] : memref<3x!tpu.dma_semaphore, #tpu.memory_space<semaphore_mem>> -> memref<1x!tpu.dma_semaphore, #tpu.memory_space<semaphore_mem>>
    %dma_start3A_36 = tpu.memref_squeeze %dma_start3A_35 : memref<1x!tpu.dma_semaphore, #tpu.memory_space<semaphore_mem>> -> memref<!tpu.dma_semaphore, #tpu.memory_space<semaphore_mem>>
    %dma_start3A_37 = arith.constant 0 : i32
    %dma_start3A_38 = arith.constant 0 : i32
    %dma_start3A_39 = tpu.memref_slice %arg1[%dma_start3A_37, %dma_start3A_38] : memref<16x1000000xf32, #tpu.memory_space<hbm>> -> memref<16x83328xf32, #tpu.memory_space<hbm>>
    %dma_start3A_40 = arith.constant 0 : i32
    %dma_start3A_41 = arith.constant 0 : i32
    %dma_start3A_42 = tpu.memref_slice %arg2[%dma_start3A_40, %dma_start3A_41] : memref<16x83328xf32, #tpu.memory_space<vmem>> -> memref<16x83328xf32, #tpu.memory_space<vmem>>
    tpu.enqueue_dma source(%dma_start3A_42 : memref<16x83328xf32, #tpu.memory_space<vmem>>) target(%dma_start3A_39 : memref<16x83328xf32, #tpu.memory_space<hbm>>) target_semaphore(%dma_start3A_36 : memref<!tpu.dma_semaphore, #tpu.memory_space<semaphore_mem>>)
    %dma_wait3A_43 = arith.constant 0 : i32
    %dma_wait3A_44 = tpu.memref_slice %arg6[%dma_wait3A_43] : memref<3x!tpu.dma_semaphore, #tpu.memory_space<semaphore_mem>> -> memref<1x!tpu.dma_semaphore, #tpu.memory_space<semaphore_mem>>
    %dma_wait3A_45 = tpu.memref_squeeze %dma_wait3A_44 : memref<1x!tpu.dma_semaphore, #tpu.memory_space<semaphore_mem>> -> memref<!tpu.dma_semaphore, #tpu.memory_space<semaphore_mem>>
    %dma_wait3A_46 = arith.constant 0 : i32
    %dma_wait3A_47 = arith.constant 0 : i32
    %dma_wait3A_48 = tpu.memref_slice %arg1[%dma_wait3A_46, %dma_wait3A_47] : memref<16x1000000xf32, #tpu.memory_space<hbm>> -> memref<16x83328xf32, #tpu.memory_space<hbm>>
    %dma_wait3A_49 = arith.constant 0 : i32
    %dma_wait3A_50 = arith.constant 0 : i32
    %dma_wait3A_51 = tpu.memref_slice %arg2[%dma_wait3A_49, %dma_wait3A_50] : memref<16x83328xf32, #tpu.memory_space<vmem>> -> memref<16x83328xf32, #tpu.memory_space<vmem>>
    tpu.wait_dma2 semaphore(%dma_wait3A_45 : memref<!tpu.dma_semaphore, #tpu.memory_space<semaphore_mem>>) src(%dma_wait3A_51 : memref<16x83328xf32, #tpu.memory_space<vmem>>) dst(%dma_wait3A_48 : memref<16x83328xf32, #tpu.memory_space<hbm>>)
    %dma_start3A_52 = arith.constant 0 : i32
    %dma_start3A_53 = tpu.memref_slice %arg5[%dma_start3A_52] : memref<3x!tpu.dma_semaphore, #tpu.memory_space<semaphore_mem>> -> memref<1x!tpu.dma_semaphore, #tpu.memory_space<semaphore_mem>>
    %dma_start3A_54 = tpu.memref_squeeze %dma_start3A_53 : memref<1x!tpu.dma_semaphore, #tpu.memory_space<semaphore_mem>> -> memref<!tpu.dma_semaphore, #tpu.memory_space<semaphore_mem>>
    %dma_start3A_55 = arith.constant 0 : i32
    %dma_start3A_56 = arith.constant 0 : i32
    %dma_start3A_57 = tpu.memref_slice %arg2[%dma_start3A_55, %dma_start3A_56] : memref<16x83328xf32, #tpu.memory_space<vmem>> -> memref<16x83328xf32, #tpu.memory_space<vmem>>
    %dma_start3A_58 = arith.constant 0 : i32
    %dma_start3A_59 = arith.constant 249984 : i32
    %dma_start3A_60 = tpu.memref_slice %arg0[%dma_start3A_58, %dma_start3A_59] : memref<16x1000000xf32, #tpu.memory_space<hbm>> -> memref<16x83328xf32, #tpu.memory_space<hbm>>
    tpu.enqueue_dma source(%dma_start3A_60 : memref<16x83328xf32, #tpu.memory_space<hbm>>) target(%dma_start3A_57 : memref<16x83328xf32, #tpu.memory_space<vmem>>) target_semaphore(%dma_start3A_54 : memref<!tpu.dma_semaphore, #tpu.memory_space<semaphore_mem>>)
    %dma_wait3A_61 = arith.constant 1 : i32
    %dma_wait3A_62 = tpu.memref_slice %arg5[%dma_wait3A_61] : memref<3x!tpu.dma_semaphore, #tpu.memory_space<semaphore_mem>> -> memref<1x!tpu.dma_semaphore, #tpu.memory_space<semaphore_mem>>
    %dma_wait3A_63 = tpu.memref_squeeze %dma_wait3A_62 : memref<1x!tpu.dma_semaphore, #tpu.memory_space<semaphore_mem>> -> memref<!tpu.dma_semaphore, #tpu.memory_space<semaphore_mem>>
    %dma_wait3A_64 = arith.constant 0 : i32
    %dma_wait3A_65 = arith.constant 0 : i32
    %dma_wait3A_66 = tpu.memref_slice %arg3[%dma_wait3A_64, %dma_wait3A_65] : memref<16x83328xf32, #tpu.memory_space<vmem>> -> memref<16x83328xf32, #tpu.memory_space<vmem>>
    %dma_wait3A_67 = arith.constant 0 : i32
    %dma_wait3A_68 = arith.constant 83328 : i32
    %dma_wait3A_69 = tpu.memref_slice %arg0[%dma_wait3A_67, %dma_wait3A_68] : memref<16x1000000xf32, #tpu.memory_space<hbm>> -> memref<16x83328xf32, #tpu.memory_space<hbm>>
    tpu.wait_dma2 semaphore(%dma_wait3A_63 : memref<!tpu.dma_semaphore, #tpu.memory_space<semaphore_mem>>) src(%dma_wait3A_69 : memref<16x83328xf32, #tpu.memory_space<hbm>>) dst(%dma_wait3A_66 : memref<16x83328xf32, #tpu.memory_space<vmem>>)
    %dma_start3A_70 = arith.constant 1 : i32
    %dma_start3A_71 = tpu.memref_slice %arg6[%dma_start3A_70] : memref<3x!tpu.dma_semaphore, #tpu.memory_space<semaphore_mem>> -> memref<1x!tpu.dma_semaphore, #tpu.memory_space<semaphore_mem>>
    %dma_start3A_72 = tpu.memref_squeeze %dma_start3A_71 : memref<1x!tpu.dma_semaphore, #tpu.memory_space<semaphore_mem>> -> memref<!tpu.dma_semaphore, #tpu.memory_space<semaphore_mem>>
    %dma_start3A_73 = arith.constant 0 : i32
    %dma_start3A_74 = arith.constant 83328 : i32
    %dma_start3A_75 = tpu.memref_slice %arg1[%dma_start3A_73, %dma_start3A_74] : memref<16x1000000xf32, #tpu.memory_space<hbm>> -> memref<16x83328xf32, #tpu.memory_space<hbm>>
    %dma_start3A_76 = arith.constant 0 : i32
    %dma_start3A_77 = arith.constant 0 : i32
    %dma_start3A_78 = tpu.memref_slice %arg3[%dma_start3A_76, %dma_start3A_77] : memref<16x83328xf32, #tpu.memory_space<vmem>> -> memref<16x83328xf32, #tpu.memory_space<vmem>>
    tpu.enqueue_dma source(%dma_start3A_78 : memref<16x83328xf32, #tpu.memory_space<vmem>>) target(%dma_start3A_75 : memref<16x83328xf32, #tpu.memory_space<hbm>>) target_semaphore(%dma_start3A_72 : memref<!tpu.dma_semaphore, #tpu.memory_space<semaphore_mem>>)
    %dma_wait3A_79 = arith.constant 1 : i32
    %dma_wait3A_80 = tpu.memref_slice %arg6[%dma_wait3A_79] : memref<3x!tpu.dma_semaphore, #tpu.memory_space<semaphore_mem>> -> memref<1x!tpu.dma_semaphore, #tpu.memory_space<semaphore_mem>>
    %dma_wait3A_81 = tpu.memref_squeeze %dma_wait3A_80 : memref<1x!tpu.dma_semaphore, #tpu.memory_space<semaphore_mem>> -> memref<!tpu.dma_semaphore, #tpu.memory_space<semaphore_mem>>
    %dma_wait3A_82 = arith.constant 0 : i32
    %dma_wait3A_83 = arith.constant 83328 : i32
    %dma_wait3A_84 = tpu.memref_slice %arg1[%dma_wait3A_82, %dma_wait3A_83] : memref<16x1000000xf32, #tpu.memory_space<hbm>> -> memref<16x83328xf32, #tpu.memory_space<hbm>>
    %dma_wait3A_85 = arith.constant 0 : i32
    %dma_wait3A_86 = arith.constant 0 : i32
    %dma_wait3A_87 = tpu.memref_slice %arg3[%dma_wait3A_85, %dma_wait3A_86] : memref<16x83328xf32, #tpu.memory_space<vmem>> -> memref<16x83328xf32, #tpu.memory_space<vmem>>
    tpu.wait_dma2 semaphore(%dma_wait3A_81 : memref<!tpu.dma_semaphore, #tpu.memory_space<semaphore_mem>>) src(%dma_wait3A_87 : memref<16x83328xf32, #tpu.memory_space<vmem>>) dst(%dma_wait3A_84 : memref<16x83328xf32, #tpu.memory_space<hbm>>)
    %dma_start3A_88 = arith.constant 1 : i32
    %dma_start3A_89 = tpu.memref_slice %arg5[%dma_start3A_88] : memref<3x!tpu.dma_semaphore, #tpu.memory_space<semaphore_mem>> -> memref<1x!tpu.dma_semaphore, #tpu.memory_space<semaphore_mem>>
    %dma_start3A_90 = tpu.memref_squeeze %dma_start3A_89 : memref<1x!tpu.dma_semaphore, #tpu.memory_space<semaphore_mem>> -> memref<!tpu.dma_semaphore, #tpu.memory_space<semaphore_mem>>
    %dma_start3A_91 = arith.constant 0 : i32
    %dma_start3A_92 = arith.constant 0 : i32
    %dma_start3A_93 = tpu.memref_slice %arg3[%dma_start3A_91, %dma_start3A_92] : memref<16x83328xf32, #tpu.memory_space<vmem>> -> memref<16x83328xf32, #tpu.memory_space<vmem>>
    %dma_start3A_94 = arith.constant 0 : i32
    %dma_start3A_95 = arith.constant 333312 : i32
    %dma_start3A_96 = tpu.memref_slice %arg0[%dma_start3A_94, %dma_start3A_95] : memref<16x1000000xf32, #tpu.memory_space<hbm>> -> memref<16x83328xf32, #tpu.memory_space<hbm>>
    tpu.enqueue_dma source(%dma_start3A_96 : memref<16x83328xf32, #tpu.memory_space<hbm>>) target(%dma_start3A_93 : memref<16x83328xf32, #tpu.memory_space<vmem>>) target_semaphore(%dma_start3A_90 : memref<!tpu.dma_semaphore, #tpu.memory_space<semaphore_mem>>)
    %dma_wait3A_97 = arith.constant 2 : i32
    %dma_wait3A_98 = tpu.memref_slice %arg5[%dma_wait3A_97] : memref<3x!tpu.dma_semaphore, #tpu.memory_space<semaphore_mem>> -> memref<1x!tpu.dma_semaphore, #tpu.memory_space<semaphore_mem>>
    %dma_wait3A_99 = tpu.memref_squeeze %dma_wait3A_98 : memref<1x!tpu.dma_semaphore, #tpu.memory_space<semaphore_mem>> -> memref<!tpu.dma_semaphore, #tpu.memory_space<semaphore_mem>>
    %dma_wait3A_100 = arith.constant 0 : i32
    %dma_wait3A_101 = arith.constant 0 : i32
    %dma_wait3A_102 = tpu.memref_slice %arg4[%dma_wait3A_100, %dma_wait3A_101] : memref<16x83328xf32, #tpu.memory_space<vmem>> -> memref<16x83328xf32, #tpu.memory_space<vmem>>
    %dma_wait3A_103 = arith.constant 0 : i32
    %dma_wait3A_104 = arith.constant 166656 : i32
    %dma_wait3A_105 = tpu.memref_slice %arg0[%dma_wait3A_103, %dma_wait3A_104] : memref<16x1000000xf32, #tpu.memory_space<hbm>> -> memref<16x83328xf32, #tpu.memory_space<hbm>>
    tpu.wait_dma2 semaphore(%dma_wait3A_99 : memref<!tpu.dma_semaphore, #tpu.memory_space<semaphore_mem>>) src(%dma_wait3A_105 : memref<16x83328xf32, #tpu.memory_space<hbm>>) dst(%dma_wait3A_102 : memref<16x83328xf32, #tpu.memory_space<vmem>>)
    %dma_start3A_106 = arith.constant 2 : i32
    %dma_start3A_107 = tpu.memref_slice %arg6[%dma_start3A_106] : memref<3x!tpu.dma_semaphore, #tpu.memory_space<semaphore_mem>> -> memref<1x!tpu.dma_semaphore, #tpu.memory_space<semaphore_mem>>
    %dma_start3A_108 = tpu.memref_squeeze %dma_start3A_107 : memref<1x!tpu.dma_semaphore, #tpu.memory_space<semaphore_mem>> -> memref<!tpu.dma_semaphore, #tpu.memory_space<semaphore_mem>>
    %dma_start3A_109 = arith.constant 0 : i32
    %dma_start3A_110 = arith.constant 166656 : i32
    %dma_start3A_111 = tpu.memref_slice %arg1[%dma_start3A_109, %dma_start3A_110] : memref<16x1000000xf32, #tpu.memory_space<hbm>> -> memref<16x83328xf32, #tpu.memory_space<hbm>>
    %dma_start3A_112 = arith.constant 0 : i32
    %dma_start3A_113 = arith.constant 0 : i32
    %dma_start3A_114 = tpu.memref_slice %arg4[%dma_start3A_112, %dma_start3A_113] : memref<16x83328xf32, #tpu.memory_space<vmem>> -> memref<16x83328xf32, #tpu.memory_space<vmem>>
    tpu.enqueue_dma source(%dma_start3A_114 : memref<16x83328xf32, #tpu.memory_space<vmem>>) target(%dma_start3A_111 : memref<16x83328xf32, #tpu.memory_space<hbm>>) target_semaphore(%dma_start3A_108 : memref<!tpu.dma_semaphore, #tpu.memory_space<semaphore_mem>>)
    %dma_wait3A_115 = arith.constant 2 : i32
    %dma_wait3A_116 = tpu.memref_slice %arg6[%dma_wait3A_115] : memref<3x!tpu.dma_semaphore, #tpu.memory_space<semaphore_mem>> -> memref<1x!tpu.dma_semaphore, #tpu.memory_space<semaphore_mem>>
    %dma_wait3A_117 = tpu.memref_squeeze %dma_wait3A_116 : memref<1x!tpu.dma_semaphore, #tpu.memory_space<semaphore_mem>> -> memref<!tpu.dma_semaphore, #tpu.memory_space<semaphore_mem>>
    %dma_wait3A_118 = arith.constant 0 : i32
    %dma_wait3A_119 = arith.constant 166656 : i32
    %dma_wait3A_120 = tpu.memref_slice %arg1[%dma_wait3A_118, %dma_wait3A_119] : memref<16x1000000xf32, #tpu.memory_space<hbm>> -> memref<16x83328xf32, #tpu.memory_space<hbm>>
    %dma_wait3A_121 = arith.constant 0 : i32
    %dma_wait3A_122 = arith.constant 0 : i32
    %dma_wait3A_123 = tpu.memref_slice %arg4[%dma_wait3A_121, %dma_wait3A_122] : memref<16x83328xf32, #tpu.memory_space<vmem>> -> memref<16x83328xf32, #tpu.memory_space<vmem>>
    tpu.wait_dma2 semaphore(%dma_wait3A_117 : memref<!tpu.dma_semaphore, #tpu.memory_space<semaphore_mem>>) src(%dma_wait3A_123 : memref<16x83328xf32, #tpu.memory_space<vmem>>) dst(%dma_wait3A_120 : memref<16x83328xf32, #tpu.memory_space<hbm>>)
    %dma_start3A_124 = arith.constant 2 : i32
    %dma_start3A_125 = tpu.memref_slice %arg5[%dma_start3A_124] : memref<3x!tpu.dma_semaphore, #tpu.memory_space<semaphore_mem>> -> memref<1x!tpu.dma_semaphore, #tpu.memory_space<semaphore_mem>>
    %dma_start3A_126 = tpu.memref_squeeze %dma_start3A_125 : memref<1x!tpu.dma_semaphore, #tpu.memory_space<semaphore_mem>> -> memref<!tpu.dma_semaphore, #tpu.memory_space<semaphore_mem>>
    %dma_start3A_127 = arith.constant 0 : i32
    %dma_start3A_128 = arith.constant 0 : i32
    %dma_start3A_129 = tpu.memref_slice %arg4[%dma_start3A_127, %dma_start3A_128] : memref<16x83328xf32, #tpu.memory_space<vmem>> -> memref<16x83328xf32, #tpu.memory_space<vmem>>
    %dma_start3A_130 = arith.constant 0 : i32
    %dma_start3A_131 = arith.constant 416640 : i32
    %dma_start3A_132 = tpu.memref_slice %arg0[%dma_start3A_130, %dma_start3A_131] : memref<16x1000000xf32, #tpu.memory_space<hbm>> -> memref<16x83328xf32, #tpu.memory_space<hbm>>
    tpu.enqueue_dma source(%dma_start3A_132 : memref<16x83328xf32, #tpu.memory_space<hbm>>) target(%dma_start3A_129 : memref<16x83328xf32, #tpu.memory_space<vmem>>) target_semaphore(%dma_start3A_126 : memref<!tpu.dma_semaphore, #tpu.memory_space<semaphore_mem>>)
    %dma_wait3A_133 = arith.constant 0 : i32
    %dma_wait3A_134 = tpu.memref_slice %arg5[%dma_wait3A_133] : memref<3x!tpu.dma_semaphore, #tpu.memory_space<semaphore_mem>> -> memref<1x!tpu.dma_semaphore, #tpu.memory_space<semaphore_mem>>
    %dma_wait3A_135 = tpu.memref_squeeze %dma_wait3A_134 : memref<1x!tpu.dma_semaphore, #tpu.memory_space<semaphore_mem>> -> memref<!tpu.dma_semaphore, #tpu.memory_space<semaphore_mem>>
    %dma_wait3A_136 = arith.constant 0 : i32
    %dma_wait3A_137 = arith.constant 0 : i32
    %dma_wait3A_138 = tpu.memref_slice %arg2[%dma_wait3A_136, %dma_wait3A_137] : memref<16x83328xf32, #tpu.memory_space<vmem>> -> memref<16x83328xf32, #tpu.memory_space<vmem>>
    %dma_wait3A_139 = arith.constant 0 : i32
    %dma_wait3A_140 = arith.constant 249984 : i32
    %dma_wait3A_141 = tpu.memref_slice %arg0[%dma_wait3A_139, %dma_wait3A_140] : memref<16x1000000xf32, #tpu.memory_space<hbm>> -> memref<16x83328xf32, #tpu.memory_space<hbm>>
    tpu.wait_dma2 semaphore(%dma_wait3A_135 : memref<!tpu.dma_semaphore, #tpu.memory_space<semaphore_mem>>) src(%dma_wait3A_141 : memref<16x83328xf32, #tpu.memory_space<hbm>>) dst(%dma_wait3A_138 : memref<16x83328xf32, #tpu.memory_space<vmem>>)
    %dma_start3A_142 = arith.constant 0 : i32
    %dma_start3A_143 = tpu.memref_slice %arg6[%dma_start3A_142] : memref<3x!tpu.dma_semaphore, #tpu.memory_space<semaphore_mem>> -> memref<1x!tpu.dma_semaphore, #tpu.memory_space<semaphore_mem>>
    %dma_start3A_144 = tpu.memref_squeeze %dma_start3A_143 : memref<1x!tpu.dma_semaphore, #tpu.memory_space<semaphore_mem>> -> memref<!tpu.dma_semaphore, #tpu.memory_space<semaphore_mem>>
    %dma_start3A_145 = arith.constant 0 : i32
    %dma_start3A_146 = arith.constant 249984 : i32
    %dma_start3A_147 = tpu.memref_slice %arg1[%dma_start3A_145, %dma_start3A_146] : memref<16x1000000xf32, #tpu.memory_space<hbm>> -> memref<16x83328xf32, #tpu.memory_space<hbm>>
    %dma_start3A_148 = arith.constant 0 : i32
    %dma_start3A_149 = arith.constant 0 : i32
    %dma_start3A_150 = tpu.memref_slice %arg2[%dma_start3A_148, %dma_start3A_149] : memref<16x83328xf32, #tpu.memory_space<vmem>> -> memref<16x83328xf32, #tpu.memory_space<vmem>>
    tpu.enqueue_dma source(%dma_start3A_150 : memref<16x83328xf32, #tpu.memory_space<vmem>>) target(%dma_start3A_147 : memref<16x83328xf32, #tpu.memory_space<hbm>>) target_semaphore(%dma_start3A_144 : memref<!tpu.dma_semaphore, #tpu.memory_space<semaphore_mem>>)
    %dma_wait3A_151 = arith.constant 0 : i32
    %dma_wait3A_152 = tpu.memref_slice %arg6[%dma_wait3A_151] : memref<3x!tpu.dma_semaphore, #tpu.memory_space<semaphore_mem>> -> memref<1x!tpu.dma_semaphore, #tpu.memory_space<semaphore_mem>>
    %dma_wait3A_153 = tpu.memref_squeeze %dma_wait3A_152 : memref<1x!tpu.dma_semaphore, #tpu.memory_space<semaphore_mem>> -> memref<!tpu.dma_semaphore, #tpu.memory_space<semaphore_mem>>
    %dma_wait3A_154 = arith.constant 0 : i32
    %dma_wait3A_155 = arith.constant 249984 : i32
    %dma_wait3A_156 = tpu.memref_slice %arg1[%dma_wait3A_154, %dma_wait3A_155] : memref<16x1000000xf32, #tpu.memory_space<hbm>> -> memref<16x83328xf32, #tpu.memory_space<hbm>>
    %dma_wait3A_157 = arith.constant 0 : i32
    %dma_wait3A_158 = arith.constant 0 : i32
    %dma_wait3A_159 = tpu.memref_slice %arg2[%dma_wait3A_157, %dma_wait3A_158] : memref<16x83328xf32, #tpu.memory_space<vmem>> -> memref<16x83328xf32, #tpu.memory_space<vmem>>
    tpu.wait_dma2 semaphore(%dma_wait3A_153 : memref<!tpu.dma_semaphore, #tpu.memory_space<semaphore_mem>>) src(%dma_wait3A_159 : memref<16x83328xf32, #tpu.memory_space<vmem>>) dst(%dma_wait3A_156 : memref<16x83328xf32, #tpu.memory_space<hbm>>)
    %dma_start3A_160 = arith.constant 0 : i32
    %dma_start3A_161 = tpu.memref_slice %arg5[%dma_start3A_160] : memref<3x!tpu.dma_semaphore, #tpu.memory_space<semaphore_mem>> -> memref<1x!tpu.dma_semaphore, #tpu.memory_space<semaphore_mem>>
    %dma_start3A_162 = tpu.memref_squeeze %dma_start3A_161 : memref<1x!tpu.dma_semaphore, #tpu.memory_space<semaphore_mem>> -> memref<!tpu.dma_semaphore, #tpu.memory_space<semaphore_mem>>
    %dma_start3A_163 = arith.constant 0 : i32
    %dma_start3A_164 = arith.constant 0 : i32
    %dma_start3A_165 = tpu.memref_slice %arg2[%dma_start3A_163, %dma_start3A_164] : memref<16x83328xf32, #tpu.memory_space<vmem>> -> memref<16x83328xf32, #tpu.memory_space<vmem>>
    %dma_start3A_166 = arith.constant 0 : i32
    %dma_start3A_167 = arith.constant 499968 : i32
    %dma_start3A_168 = tpu.memref_slice %arg0[%dma_start3A_166, %dma_start3A_167] : memref<16x1000000xf32, #tpu.memory_space<hbm>> -> memref<16x83328xf32, #tpu.memory_space<hbm>>
    tpu.enqueue_dma source(%dma_start3A_168 : memref<16x83328xf32, #tpu.memory_space<hbm>>) target(%dma_start3A_165 : memref<16x83328xf32, #tpu.memory_space<vmem>>) target_semaphore(%dma_start3A_162 : memref<!tpu.dma_semaphore, #tpu.memory_space<semaphore_mem>>)
    %dma_wait3A_169 = arith.constant 1 : i32
    %dma_wait3A_170 = tpu.memref_slice %arg5[%dma_wait3A_169] : memref<3x!tpu.dma_semaphore, #tpu.memory_space<semaphore_mem>> -> memref<1x!tpu.dma_semaphore, #tpu.memory_space<semaphore_mem>>
    %dma_wait3A_171 = tpu.memref_squeeze %dma_wait3A_170 : memref<1x!tpu.dma_semaphore, #tpu.memory_space<semaphore_mem>> -> memref<!tpu.dma_semaphore, #tpu.memory_space<semaphore_mem>>
    %dma_wait3A_172 = arith.constant 0 : i32
    %dma_wait3A_173 = arith.constant 0 : i32
    %dma_wait3A_174 = tpu.memref_slice %arg3[%dma_wait3A_172, %dma_wait3A_173] : memref<16x83328xf32, #tpu.memory_space<vmem>> -> memref<16x83328xf32, #tpu.memory_space<vmem>>
    %dma_wait3A_175 = arith.constant 0 : i32
    %dma_wait3A_176 = arith.constant 333312 : i32
    %dma_wait3A_177 = tpu.memref_slice %arg0[%dma_wait3A_175, %dma_wait3A_176] : memref<16x1000000xf32, #tpu.memory_space<hbm>> -> memref<16x83328xf32, #tpu.memory_space<hbm>>
    tpu.wait_dma2 semaphore(%dma_wait3A_171 : memref<!tpu.dma_semaphore, #tpu.memory_space<semaphore_mem>>) src(%dma_wait3A_177 : memref<16x83328xf32, #tpu.memory_space<hbm>>) dst(%dma_wait3A_174 : memref<16x83328xf32, #tpu.memory_space<vmem>>)
    %dma_start3A_178 = arith.constant 1 : i32
    %dma_start3A_179 = tpu.memref_slice %arg6[%dma_start3A_178] : memref<3x!tpu.dma_semaphore, #tpu.memory_space<semaphore_mem>> -> memref<1x!tpu.dma_semaphore, #tpu.memory_space<semaphore_mem>>
    %dma_start3A_180 = tpu.memref_squeeze %dma_start3A_179 : memref<1x!tpu.dma_semaphore, #tpu.memory_space<semaphore_mem>> -> memref<!tpu.dma_semaphore, #tpu.memory_space<semaphore_mem>>
    %dma_start3A_181 = arith.constant 0 : i32
    %dma_start3A_182 = arith.constant 333312 : i32
    %dma_start3A_183 = tpu.memref_slice %arg1[%dma_start3A_181, %dma_start3A_182] : memref<16x1000000xf32, #tpu.memory_space<hbm>> -> memref<16x83328xf32, #tpu.memory_space<hbm>>
    %dma_start3A_184 = arith.constant 0 : i32
    %dma_start3A_185 = arith.constant 0 : i32
    %dma_start3A_186 = tpu.memref_slice %arg3[%dma_start3A_184, %dma_start3A_185] : memref<16x83328xf32, #tpu.memory_space<vmem>> -> memref<16x83328xf32, #tpu.memory_space<vmem>>
    tpu.enqueue_dma source(%dma_start3A_186 : memref<16x83328xf32, #tpu.memory_space<vmem>>) target(%dma_start3A_183 : memref<16x83328xf32, #tpu.memory_space<hbm>>) target_semaphore(%dma_start3A_180 : memref<!tpu.dma_semaphore, #tpu.memory_space<semaphore_mem>>)
    %dma_wait3A_187 = arith.constant 1 : i32
    %dma_wait3A_188 = tpu.memref_slice %arg6[%dma_wait3A_187] : memref<3x!tpu.dma_semaphore, #tpu.memory_space<semaphore_mem>> -> memref<1x!tpu.dma_semaphore, #tpu.memory_space<semaphore_mem>>
    %dma_wait3A_189 = tpu.memref_squeeze %dma_wait3A_188 : memref<1x!tpu.dma_semaphore, #tpu.memory_space<semaphore_mem>> -> memref<!tpu.dma_semaphore, #tpu.memory_space<semaphore_mem>>
    %dma_wait3A_190 = arith.constant 0 : i32
    %dma_wait3A_191 = arith.constant 333312 : i32
    %dma_wait3A_192 = tpu.memref_slice %arg1[%dma_wait3A_190, %dma_wait3A_191] : memref<16x1000000xf32, #tpu.memory_space<hbm>> -> memref<16x83328xf32, #tpu.memory_space<hbm>>
    %dma_wait3A_193 = arith.constant 0 : i32
    %dma_wait3A_194 = arith.constant 0 : i32
    %dma_wait3A_195 = tpu.memref_slice %arg3[%dma_wait3A_193, %dma_wait3A_194] : memref<16x83328xf32, #tpu.memory_space<vmem>> -> memref<16x83328xf32, #tpu.memory_space<vmem>>
    tpu.wait_dma2 semaphore(%dma_wait3A_189 : memref<!tpu.dma_semaphore, #tpu.memory_space<semaphore_mem>>) src(%dma_wait3A_195 : memref<16x83328xf32, #tpu.memory_space<vmem>>) dst(%dma_wait3A_192 : memref<16x83328xf32, #tpu.memory_space<hbm>>)
    %dma_start3A_196 = arith.constant 1 : i32
    %dma_start3A_197 = tpu.memref_slice %arg5[%dma_start3A_196] : memref<3x!tpu.dma_semaphore, #tpu.memory_space<semaphore_mem>> -> memref<1x!tpu.dma_semaphore, #tpu.memory_space<semaphore_mem>>
    %dma_start3A_198 = tpu.memref_squeeze %dma_start3A_197 : memref<1x!tpu.dma_semaphore, #tpu.memory_space<semaphore_mem>> -> memref<!tpu.dma_semaphore, #tpu.memory_space<semaphore_mem>>
    %dma_start3A_199 = arith.constant 0 : i32
    %dma_start3A_200 = arith.constant 0 : i32
    %dma_start3A_201 = tpu.memref_slice %arg3[%dma_start3A_199, %dma_start3A_200] : memref<16x83328xf32, #tpu.memory_space<vmem>> -> memref<16x83328xf32, #tpu.memory_space<vmem>>
    %dma_start3A_202 = arith.constant 0 : i32
    %dma_start3A_203 = arith.constant 583296 : i32
    %dma_start3A_204 = tpu.memref_slice %arg0[%dma_start3A_202, %dma_start3A_203] : memref<16x1000000xf32, #tpu.memory_space<hbm>> -> memref<16x83328xf32, #tpu.memory_space<hbm>>
    tpu.enqueue_dma source(%dma_start3A_204 : memref<16x83328xf32, #tpu.memory_space<hbm>>) target(%dma_start3A_201 : memref<16x83328xf32, #tpu.memory_space<vmem>>) target_semaphore(%dma_start3A_198 : memref<!tpu.dma_semaphore, #tpu.memory_space<semaphore_mem>>)
    %dma_wait3A_205 = arith.constant 2 : i32
    %dma_wait3A_206 = tpu.memref_slice %arg5[%dma_wait3A_205] : memref<3x!tpu.dma_semaphore, #tpu.memory_space<semaphore_mem>> -> memref<1x!tpu.dma_semaphore, #tpu.memory_space<semaphore_mem>>
    %dma_wait3A_207 = tpu.memref_squeeze %dma_wait3A_206 : memref<1x!tpu.dma_semaphore, #tpu.memory_space<semaphore_mem>> -> memref<!tpu.dma_semaphore, #tpu.memory_space<semaphore_mem>>
    %dma_wait3A_208 = arith.constant 0 : i32
    %dma_wait3A_209 = arith.constant 0 : i32
    %dma_wait3A_210 = tpu.memref_slice %arg4[%dma_wait3A_208, %dma_wait3A_209] : memref<16x83328xf32, #tpu.memory_space<vmem>> -> memref<16x83328xf32, #tpu.memory_space<vmem>>
    %dma_wait3A_211 = arith.constant 0 : i32
    %dma_wait3A_212 = arith.constant 416640 : i32
    %dma_wait3A_213 = tpu.memref_slice %arg0[%dma_wait3A_211, %dma_wait3A_212] : memref<16x1000000xf32, #tpu.memory_space<hbm>> -> memref<16x83328xf32, #tpu.memory_space<hbm>>
    tpu.wait_dma2 semaphore(%dma_wait3A_207 : memref<!tpu.dma_semaphore, #tpu.memory_space<semaphore_mem>>) src(%dma_wait3A_213 : memref<16x83328xf32, #tpu.memory_space<hbm>>) dst(%dma_wait3A_210 : memref<16x83328xf32, #tpu.memory_space<vmem>>)
    %dma_start3A_214 = arith.constant 2 : i32
    %dma_start3A_215 = tpu.memref_slice %arg6[%dma_start3A_214] : memref<3x!tpu.dma_semaphore, #tpu.memory_space<semaphore_mem>> -> memref<1x!tpu.dma_semaphore, #tpu.memory_space<semaphore_mem>>
    %dma_start3A_216 = tpu.memref_squeeze %dma_start3A_215 : memref<1x!tpu.dma_semaphore, #tpu.memory_space<semaphore_mem>> -> memref<!tpu.dma_semaphore, #tpu.memory_space<semaphore_mem>>
    %dma_start3A_217 = arith.constant 0 : i32
    %dma_start3A_218 = arith.constant 416640 : i32
    %dma_start3A_219 = tpu.memref_slice %arg1[%dma_start3A_217, %dma_start3A_218] : memref<16x1000000xf32, #tpu.memory_space<hbm>> -> memref<16x83328xf32, #tpu.memory_space<hbm>>
    %dma_start3A_220 = arith.constant 0 : i32
    %dma_start3A_221 = arith.constant 0 : i32
    %dma_start3A_222 = tpu.memref_slice %arg4[%dma_start3A_220, %dma_start3A_221] : memref<16x83328xf32, #tpu.memory_space<vmem>> -> memref<16x83328xf32, #tpu.memory_space<vmem>>
    tpu.enqueue_dma source(%dma_start3A_222 : memref<16x83328xf32, #tpu.memory_space<vmem>>) target(%dma_start3A_219 : memref<16x83328xf32, #tpu.memory_space<hbm>>) target_semaphore(%dma_start3A_216 : memref<!tpu.dma_semaphore, #tpu.memory_space<semaphore_mem>>)
    %dma_wait3A_223 = arith.constant 2 : i32
    %dma_wait3A_224 = tpu.memref_slice %arg6[%dma_wait3A_223] : memref<3x!tpu.dma_semaphore, #tpu.memory_space<semaphore_mem>> -> memref<1x!tpu.dma_semaphore, #tpu.memory_space<semaphore_mem>>
    %dma_wait3A_225 = tpu.memref_squeeze %dma_wait3A_224 : memref<1x!tpu.dma_semaphore, #tpu.memory_space<semaphore_mem>> -> memref<!tpu.dma_semaphore, #tpu.memory_space<semaphore_mem>>
    %dma_wait3A_226 = arith.constant 0 : i32
    %dma_wait3A_227 = arith.constant 416640 : i32
    %dma_wait3A_228 = tpu.memref_slice %arg1[%dma_wait3A_226, %dma_wait3A_227] : memref<16x1000000xf32, #tpu.memory_space<hbm>> -> memref<16x83328xf32, #tpu.memory_space<hbm>>
    %dma_wait3A_229 = arith.constant 0 : i32
    %dma_wait3A_230 = arith.constant 0 : i32
    %dma_wait3A_231 = tpu.memref_slice %arg4[%dma_wait3A_229, %dma_wait3A_230] : memref<16x83328xf32, #tpu.memory_space<vmem>> -> memref<16x83328xf32, #tpu.memory_space<vmem>>
    tpu.wait_dma2 semaphore(%dma_wait3A_225 : memref<!tpu.dma_semaphore, #tpu.memory_space<semaphore_mem>>) src(%dma_wait3A_231 : memref<16x83328xf32, #tpu.memory_space<vmem>>) dst(%dma_wait3A_228 : memref<16x83328xf32, #tpu.memory_space<hbm>>)
    %dma_start3A_232 = arith.constant 2 : i32
    %dma_start3A_233 = tpu.memref_slice %arg5[%dma_start3A_232] : memref<3x!tpu.dma_semaphore, #tpu.memory_space<semaphore_mem>> -> memref<1x!tpu.dma_semaphore, #tpu.memory_space<semaphore_mem>>
    %dma_start3A_234 = tpu.memref_squeeze %dma_start3A_233 : memref<1x!tpu.dma_semaphore, #tpu.memory_space<semaphore_mem>> -> memref<!tpu.dma_semaphore, #tpu.memory_space<semaphore_mem>>
    %dma_start3A_235 = arith.constant 0 : i32
    %dma_start3A_236 = arith.constant 0 : i32
    %dma_start3A_237 = tpu.memref_slice %arg4[%dma_start3A_235, %dma_start3A_236] : memref<16x83328xf32, #tpu.memory_space<vmem>> -> memref<16x83328xf32, #tpu.memory_space<vmem>>
    %dma_start3A_238 = arith.constant 0 : i32
    %dma_start3A_239 = arith.constant 666624 : i32
    %dma_start3A_240 = tpu.memref_slice %arg0[%dma_start3A_238, %dma_start3A_239] : memref<16x1000000xf32, #tpu.memory_space<hbm>> -> memref<16x83328xf32, #tpu.memory_space<hbm>>
    tpu.enqueue_dma source(%dma_start3A_240 : memref<16x83328xf32, #tpu.memory_space<hbm>>) target(%dma_start3A_237 : memref<16x83328xf32, #tpu.memory_space<vmem>>) target_semaphore(%dma_start3A_234 : memref<!tpu.dma_semaphore, #tpu.memory_space<semaphore_mem>>)
    %dma_wait3A_241 = arith.constant 0 : i32
    %dma_wait3A_242 = tpu.memref_slice %arg5[%dma_wait3A_241] : memref<3x!tpu.dma_semaphore, #tpu.memory_space<semaphore_mem>> -> memref<1x!tpu.dma_semaphore, #tpu.memory_space<semaphore_mem>>
    %dma_wait3A_243 = tpu.memref_squeeze %dma_wait3A_242 : memref<1x!tpu.dma_semaphore, #tpu.memory_space<semaphore_mem>> -> memref<!tpu.dma_semaphore, #tpu.memory_space<semaphore_mem>>
    %dma_wait3A_244 = arith.constant 0 : i32
    %dma_wait3A_245 = arith.constant 0 : i32
    %dma_wait3A_246 = tpu.memref_slice %arg2[%dma_wait3A_244, %dma_wait3A_245] : memref<16x83328xf32, #tpu.memory_space<vmem>> -> memref<16x83328xf32, #tpu.memory_space<vmem>>
    %dma_wait3A_247 = arith.constant 0 : i32
    %dma_wait3A_248 = arith.constant 499968 : i32
    %dma_wait3A_249 = tpu.memref_slice %arg0[%dma_wait3A_247, %dma_wait3A_248] : memref<16x1000000xf32, #tpu.memory_space<hbm>> -> memref<16x83328xf32, #tpu.memory_space<hbm>>
    tpu.wait_dma2 semaphore(%dma_wait3A_243 : memref<!tpu.dma_semaphore, #tpu.memory_space<semaphore_mem>>) src(%dma_wait3A_249 : memref<16x83328xf32, #tpu.memory_space<hbm>>) dst(%dma_wait3A_246 : memref<16x83328xf32, #tpu.memory_space<vmem>>)
    %dma_start3A_250 = arith.constant 0 : i32
    %dma_start3A_251 = tpu.memref_slice %arg6[%dma_start3A_250] : memref<3x!tpu.dma_semaphore, #tpu.memory_space<semaphore_mem>> -> memref<1x!tpu.dma_semaphore, #tpu.memory_space<semaphore_mem>>
    %dma_start3A_252 = tpu.memref_squeeze %dma_start3A_251 : memref<1x!tpu.dma_semaphore, #tpu.memory_space<semaphore_mem>> -> memref<!tpu.dma_semaphore, #tpu.memory_space<semaphore_mem>>
    %dma_start3A_253 = arith.constant 0 : i32
    %dma_start3A_254 = arith.constant 499968 : i32
    %dma_start3A_255 = tpu.memref_slice %arg1[%dma_start3A_253, %dma_start3A_254] : memref<16x1000000xf32, #tpu.memory_space<hbm>> -> memref<16x83328xf32, #tpu.memory_space<hbm>>
    %dma_start3A_256 = arith.constant 0 : i32
    %dma_start3A_257 = arith.constant 0 : i32
    %dma_start3A_258 = tpu.memref_slice %arg2[%dma_start3A_256, %dma_start3A_257] : memref<16x83328xf32, #tpu.memory_space<vmem>> -> memref<16x83328xf32, #tpu.memory_space<vmem>>
    tpu.enqueue_dma source(%dma_start3A_258 : memref<16x83328xf32, #tpu.memory_space<vmem>>) target(%dma_start3A_255 : memref<16x83328xf32, #tpu.memory_space<hbm>>) target_semaphore(%dma_start3A_252 : memref<!tpu.dma_semaphore, #tpu.memory_space<semaphore_mem>>)
    %dma_wait3A_259 = arith.constant 0 : i32
    %dma_wait3A_260 = tpu.memref_slice %arg6[%dma_wait3A_259] : memref<3x!tpu.dma_semaphore, #tpu.memory_space<semaphore_mem>> -> memref<1x!tpu.dma_semaphore, #tpu.memory_space<semaphore_mem>>
    %dma_wait3A_261 = tpu.memref_squeeze %dma_wait3A_260 : memref<1x!tpu.dma_semaphore, #tpu.memory_space<semaphore_mem>> -> memref<!tpu.dma_semaphore, #tpu.memory_space<semaphore_mem>>
    %dma_wait3A_262 = arith.constant 0 : i32
    %dma_wait3A_263 = arith.constant 499968 : i32
    %dma_wait3A_264 = tpu.memref_slice %arg1[%dma_wait3A_262, %dma_wait3A_263] : memref<16x1000000xf32, #tpu.memory_space<hbm>> -> memref<16x83328xf32, #tpu.memory_space<hbm>>
    %dma_wait3A_265 = arith.constant 0 : i32
    %dma_wait3A_266 = arith.constant 0 : i32
    %dma_wait3A_267 = tpu.memref_slice %arg2[%dma_wait3A_265, %dma_wait3A_266] : memref<16x83328xf32, #tpu.memory_space<vmem>> -> memref<16x83328xf32, #tpu.memory_space<vmem>>
    tpu.wait_dma2 semaphore(%dma_wait3A_261 : memref<!tpu.dma_semaphore, #tpu.memory_space<semaphore_mem>>) src(%dma_wait3A_267 : memref<16x83328xf32, #tpu.memory_space<vmem>>) dst(%dma_wait3A_264 : memref<16x83328xf32, #tpu.memory_space<hbm>>)
    %dma_start3A_268 = arith.constant 0 : i32
    %dma_start3A_269 = tpu.memref_slice %arg5[%dma_start3A_268] : memref<3x!tpu.dma_semaphore, #tpu.memory_space<semaphore_mem>> -> memref<1x!tpu.dma_semaphore, #tpu.memory_space<semaphore_mem>>
    %dma_start3A_270 = tpu.memref_squeeze %dma_start3A_269 : memref<1x!tpu.dma_semaphore, #tpu.memory_space<semaphore_mem>> -> memref<!tpu.dma_semaphore, #tpu.memory_space<semaphore_mem>>
    %dma_start3A_271 = arith.constant 0 : i32
    %dma_start3A_272 = arith.constant 0 : i32
    %dma_start3A_273 = tpu.memref_slice %arg2[%dma_start3A_271, %dma_start3A_272] : memref<16x83328xf32, #tpu.memory_space<vmem>> -> memref<16x83328xf32, #tpu.memory_space<vmem>>
    %dma_start3A_274 = arith.constant 0 : i32
    %dma_start3A_275 = arith.constant 749952 : i32
    %dma_start3A_276 = tpu.memref_slice %arg0[%dma_start3A_274, %dma_start3A_275] : memref<16x1000000xf32, #tpu.memory_space<hbm>> -> memref<16x83328xf32, #tpu.memory_space<hbm>>
    tpu.enqueue_dma source(%dma_start3A_276 : memref<16x83328xf32, #tpu.memory_space<hbm>>) target(%dma_start3A_273 : memref<16x83328xf32, #tpu.memory_space<vmem>>) target_semaphore(%dma_start3A_270 : memref<!tpu.dma_semaphore, #tpu.memory_space<semaphore_mem>>)
    %dma_wait3A_277 = arith.constant 1 : i32
    %dma_wait3A_278 = tpu.memref_slice %arg5[%dma_wait3A_277] : memref<3x!tpu.dma_semaphore, #tpu.memory_space<semaphore_mem>> -> memref<1x!tpu.dma_semaphore, #tpu.memory_space<semaphore_mem>>
    %dma_wait3A_279 = tpu.memref_squeeze %dma_wait3A_278 : memref<1x!tpu.dma_semaphore, #tpu.memory_space<semaphore_mem>> -> memref<!tpu.dma_semaphore, #tpu.memory_space<semaphore_mem>>
    %dma_wait3A_280 = arith.constant 0 : i32
    %dma_wait3A_281 = arith.constant 0 : i32
    %dma_wait3A_282 = tpu.memref_slice %arg3[%dma_wait3A_280, %dma_wait3A_281] : memref<16x83328xf32, #tpu.memory_space<vmem>> -> memref<16x83328xf32, #tpu.memory_space<vmem>>
    %dma_wait3A_283 = arith.constant 0 : i32
    %dma_wait3A_284 = arith.constant 583296 : i32
    %dma_wait3A_285 = tpu.memref_slice %arg0[%dma_wait3A_283, %dma_wait3A_284] : memref<16x1000000xf32, #tpu.memory_space<hbm>> -> memref<16x83328xf32, #tpu.memory_space<hbm>>
    tpu.wait_dma2 semaphore(%dma_wait3A_279 : memref<!tpu.dma_semaphore, #tpu.memory_space<semaphore_mem>>) src(%dma_wait3A_285 : memref<16x83328xf32, #tpu.memory_space<hbm>>) dst(%dma_wait3A_282 : memref<16x83328xf32, #tpu.memory_space<vmem>>)
    %dma_start3A_286 = arith.constant 1 : i32
    %dma_start3A_287 = tpu.memref_slice %arg6[%dma_start3A_286] : memref<3x!tpu.dma_semaphore, #tpu.memory_space<semaphore_mem>> -> memref<1x!tpu.dma_semaphore, #tpu.memory_space<semaphore_mem>>
    %dma_start3A_288 = tpu.memref_squeeze %dma_start3A_287 : memref<1x!tpu.dma_semaphore, #tpu.memory_space<semaphore_mem>> -> memref<!tpu.dma_semaphore, #tpu.memory_space<semaphore_mem>>
    %dma_start3A_289 = arith.constant 0 : i32
    %dma_start3A_290 = arith.constant 583296 : i32
    %dma_start3A_291 = tpu.memref_slice %arg1[%dma_start3A_289, %dma_start3A_290] : memref<16x1000000xf32, #tpu.memory_space<hbm>> -> memref<16x83328xf32, #tpu.memory_space<hbm>>
    %dma_start3A_292 = arith.constant 0 : i32
    %dma_start3A_293 = arith.constant 0 : i32
    %dma_start3A_294 = tpu.memref_slice %arg3[%dma_start3A_292, %dma_start3A_293] : memref<16x83328xf32, #tpu.memory_space<vmem>> -> memref<16x83328xf32, #tpu.memory_space<vmem>>
    tpu.enqueue_dma source(%dma_start3A_294 : memref<16x83328xf32, #tpu.memory_space<vmem>>) target(%dma_start3A_291 : memref<16x83328xf32, #tpu.memory_space<hbm>>) target_semaphore(%dma_start3A_288 : memref<!tpu.dma_semaphore, #tpu.memory_space<semaphore_mem>>)
    %dma_wait3A_295 = arith.constant 1 : i32
    %dma_wait3A_296 = tpu.memref_slice %arg6[%dma_wait3A_295] : memref<3x!tpu.dma_semaphore, #tpu.memory_space<semaphore_mem>> -> memref<1x!tpu.dma_semaphore, #tpu.memory_space<semaphore_mem>>
    %dma_wait3A_297 = tpu.memref_squeeze %dma_wait3A_296 : memref<1x!tpu.dma_semaphore, #tpu.memory_space<semaphore_mem>> -> memref<!tpu.dma_semaphore, #tpu.memory_space<semaphore_mem>>
    %dma_wait3A_298 = arith.constant 0 : i32
    %dma_wait3A_299 = arith.constant 583296 : i32
    %dma_wait3A_300 = tpu.memref_slice %arg1[%dma_wait3A_298, %dma_wait3A_299] : memref<16x1000000xf32, #tpu.memory_space<hbm>> -> memref<16x83328xf32, #tpu.memory_space<hbm>>
    %dma_wait3A_301 = arith.constant 0 : i32
    %dma_wait3A_302 = arith.constant 0 : i32
    %dma_wait3A_303 = tpu.memref_slice %arg3[%dma_wait3A_301, %dma_wait3A_302] : memref<16x83328xf32, #tpu.memory_space<vmem>> -> memref<16x83328xf32, #tpu.memory_space<vmem>>
    tpu.wait_dma2 semaphore(%dma_wait3A_297 : memref<!tpu.dma_semaphore, #tpu.memory_space<semaphore_mem>>) src(%dma_wait3A_303 : memref<16x83328xf32, #tpu.memory_space<vmem>>) dst(%dma_wait3A_300 : memref<16x83328xf32, #tpu.memory_space<hbm>>)
    %dma_start3A_304 = arith.constant 1 : i32
    %dma_start3A_305 = tpu.memref_slice %arg5[%dma_start3A_304] : memref<3x!tpu.dma_semaphore, #tpu.memory_space<semaphore_mem>> -> memref<1x!tpu.dma_semaphore, #tpu.memory_space<semaphore_mem>>
    %dma_start3A_306 = tpu.memref_squeeze %dma_start3A_305 : memref<1x!tpu.dma_semaphore, #tpu.memory_space<semaphore_mem>> -> memref<!tpu.dma_semaphore, #tpu.memory_space<semaphore_mem>>
    %dma_start3A_307 = arith.constant 0 : i32
    %dma_start3A_308 = arith.constant 0 : i32
    %dma_start3A_309 = tpu.memref_slice %arg3[%dma_start3A_307, %dma_start3A_308] : memref<16x83328xf32, #tpu.memory_space<vmem>> -> memref<16x83328xf32, #tpu.memory_space<vmem>>
    %dma_start3A_310 = arith.constant 0 : i32
    %dma_start3A_311 = arith.constant 833280 : i32
    %dma_start3A_312 = tpu.memref_slice %arg0[%dma_start3A_310, %dma_start3A_311] : memref<16x1000000xf32, #tpu.memory_space<hbm>> -> memref<16x83328xf32, #tpu.memory_space<hbm>>
    tpu.enqueue_dma source(%dma_start3A_312 : memref<16x83328xf32, #tpu.memory_space<hbm>>) target(%dma_start3A_309 : memref<16x83328xf32, #tpu.memory_space<vmem>>) target_semaphore(%dma_start3A_306 : memref<!tpu.dma_semaphore, #tpu.memory_space<semaphore_mem>>)
    %dma_wait3A_313 = arith.constant 2 : i32
    %dma_wait3A_314 = tpu.memref_slice %arg5[%dma_wait3A_313] : memref<3x!tpu.dma_semaphore, #tpu.memory_space<semaphore_mem>> -> memref<1x!tpu.dma_semaphore, #tpu.memory_space<semaphore_mem>>
    %dma_wait3A_315 = tpu.memref_squeeze %dma_wait3A_314 : memref<1x!tpu.dma_semaphore, #tpu.memory_space<semaphore_mem>> -> memref<!tpu.dma_semaphore, #tpu.memory_space<semaphore_mem>>
    %dma_wait3A_316 = arith.constant 0 : i32
    %dma_wait3A_317 = arith.constant 0 : i32
    %dma_wait3A_318 = tpu.memref_slice %arg4[%dma_wait3A_316, %dma_wait3A_317] : memref<16x83328xf32, #tpu.memory_space<vmem>> -> memref<16x83328xf32, #tpu.memory_space<vmem>>
    %dma_wait3A_319 = arith.constant 0 : i32
    %dma_wait3A_320 = arith.constant 666624 : i32
    %dma_wait3A_321 = tpu.memref_slice %arg0[%dma_wait3A_319, %dma_wait3A_320] : memref<16x1000000xf32, #tpu.memory_space<hbm>> -> memref<16x83328xf32, #tpu.memory_space<hbm>>
    tpu.wait_dma2 semaphore(%dma_wait3A_315 : memref<!tpu.dma_semaphore, #tpu.memory_space<semaphore_mem>>) src(%dma_wait3A_321 : memref<16x83328xf32, #tpu.memory_space<hbm>>) dst(%dma_wait3A_318 : memref<16x83328xf32, #tpu.memory_space<vmem>>)
    %dma_start3A_322 = arith.constant 2 : i32
    %dma_start3A_323 = tpu.memref_slice %arg6[%dma_start3A_322] : memref<3x!tpu.dma_semaphore, #tpu.memory_space<semaphore_mem>> -> memref<1x!tpu.dma_semaphore, #tpu.memory_space<semaphore_mem>>
    %dma_start3A_324 = tpu.memref_squeeze %dma_start3A_323 : memref<1x!tpu.dma_semaphore, #tpu.memory_space<semaphore_mem>> -> memref<!tpu.dma_semaphore, #tpu.memory_space<semaphore_mem>>
    %dma_start3A_325 = arith.constant 0 : i32
    %dma_start3A_326 = arith.constant 666624 : i32
    %dma_start3A_327 = tpu.memref_slice %arg1[%dma_start3A_325, %dma_start3A_326] : memref<16x1000000xf32, #tpu.memory_space<hbm>> -> memref<16x83328xf32, #tpu.memory_space<hbm>>
    %dma_start3A_328 = arith.constant 0 : i32
    %dma_start3A_329 = arith.constant 0 : i32
    %dma_start3A_330 = tpu.memref_slice %arg4[%dma_start3A_328, %dma_start3A_329] : memref<16x83328xf32, #tpu.memory_space<vmem>> -> memref<16x83328xf32, #tpu.memory_space<vmem>>
    tpu.enqueue_dma source(%dma_start3A_330 : memref<16x83328xf32, #tpu.memory_space<vmem>>) target(%dma_start3A_327 : memref<16x83328xf32, #tpu.memory_space<hbm>>) target_semaphore(%dma_start3A_324 : memref<!tpu.dma_semaphore, #tpu.memory_space<semaphore_mem>>)
    %dma_wait3A_331 = arith.constant 2 : i32
    %dma_wait3A_332 = tpu.memref_slice %arg6[%dma_wait3A_331] : memref<3x!tpu.dma_semaphore, #tpu.memory_space<semaphore_mem>> -> memref<1x!tpu.dma_semaphore, #tpu.memory_space<semaphore_mem>>
    %dma_wait3A_333 = tpu.memref_squeeze %dma_wait3A_332 : memref<1x!tpu.dma_semaphore, #tpu.memory_space<semaphore_mem>> -> memref<!tpu.dma_semaphore, #tpu.memory_space<semaphore_mem>>
    %dma_wait3A_334 = arith.constant 0 : i32
    %dma_wait3A_335 = arith.constant 666624 : i32
    %dma_wait3A_336 = tpu.memref_slice %arg1[%dma_wait3A_334, %dma_wait3A_335] : memref<16x1000000xf32, #tpu.memory_space<hbm>> -> memref<16x83328xf32, #tpu.memory_space<hbm>>
    %dma_wait3A_337 = arith.constant 0 : i32
    %dma_wait3A_338 = arith.constant 0 : i32
    %dma_wait3A_339 = tpu.memref_slice %arg4[%dma_wait3A_337, %dma_wait3A_338] : memref<16x83328xf32, #tpu.memory_space<vmem>> -> memref<16x83328xf32, #tpu.memory_space<vmem>>
    tpu.wait_dma2 semaphore(%dma_wait3A_333 : memref<!tpu.dma_semaphore, #tpu.memory_space<semaphore_mem>>) src(%dma_wait3A_339 : memref<16x83328xf32, #tpu.memory_space<vmem>>) dst(%dma_wait3A_336 : memref<16x83328xf32, #tpu.memory_space<hbm>>)
    %dma_start3A_340 = arith.constant 2 : i32
    %dma_start3A_341 = tpu.memref_slice %arg5[%dma_start3A_340] : memref<3x!tpu.dma_semaphore, #tpu.memory_space<semaphore_mem>> -> memref<1x!tpu.dma_semaphore, #tpu.memory_space<semaphore_mem>>
    %dma_start3A_342 = tpu.memref_squeeze %dma_start3A_341 : memref<1x!tpu.dma_semaphore, #tpu.memory_space<semaphore_mem>> -> memref<!tpu.dma_semaphore, #tpu.memory_space<semaphore_mem>>
    %dma_start3A_343 = arith.constant 0 : i32
    %dma_start3A_344 = arith.constant 0 : i32
    %dma_start3A_345 = tpu.memref_slice %arg4[%dma_start3A_343, %dma_start3A_344] : memref<16x83328xf32, #tpu.memory_space<vmem>> -> memref<16x83328xf32, #tpu.memory_space<vmem>>
    %dma_start3A_346 = arith.constant 0 : i32
    %dma_start3A_347 = arith.constant 916608 : i32
    %dma_start3A_348 = tpu.memref_slice %arg0[%dma_start3A_346, %dma_start3A_347] : memref<16x1000000xf32, #tpu.memory_space<hbm>> -> memref<16x83328xf32, #tpu.memory_space<hbm>>
    tpu.enqueue_dma source(%dma_start3A_348 : memref<16x83328xf32, #tpu.memory_space<hbm>>) target(%dma_start3A_345 : memref<16x83328xf32, #tpu.memory_space<vmem>>) target_semaphore(%dma_start3A_342 : memref<!tpu.dma_semaphore, #tpu.memory_space<semaphore_mem>>)
    %dma_wait3A_349 = arith.constant 0 : i32
    %dma_wait3A_350 = tpu.memref_slice %arg5[%dma_wait3A_349] : memref<3x!tpu.dma_semaphore, #tpu.memory_space<semaphore_mem>> -> memref<1x!tpu.dma_semaphore, #tpu.memory_space<semaphore_mem>>
    %dma_wait3A_351 = tpu.memref_squeeze %dma_wait3A_350 : memref<1x!tpu.dma_semaphore, #tpu.memory_space<semaphore_mem>> -> memref<!tpu.dma_semaphore, #tpu.memory_space<semaphore_mem>>
    %dma_wait3A_352 = arith.constant 0 : i32
    %dma_wait3A_353 = arith.constant 0 : i32
    %dma_wait3A_354 = tpu.memref_slice %arg2[%dma_wait3A_352, %dma_wait3A_353] : memref<16x83328xf32, #tpu.memory_space<vmem>> -> memref<16x83328xf32, #tpu.memory_space<vmem>>
    %dma_wait3A_355 = arith.constant 0 : i32
    %dma_wait3A_356 = arith.constant 749952 : i32
    %dma_wait3A_357 = tpu.memref_slice %arg0[%dma_wait3A_355, %dma_wait3A_356] : memref<16x1000000xf32, #tpu.memory_space<hbm>> -> memref<16x83328xf32, #tpu.memory_space<hbm>>
    tpu.wait_dma2 semaphore(%dma_wait3A_351 : memref<!tpu.dma_semaphore, #tpu.memory_space<semaphore_mem>>) src(%dma_wait3A_357 : memref<16x83328xf32, #tpu.memory_space<hbm>>) dst(%dma_wait3A_354 : memref<16x83328xf32, #tpu.memory_space<vmem>>)
    %dma_start3A_358 = arith.constant 0 : i32
    %dma_start3A_359 = tpu.memref_slice %arg6[%dma_start3A_358] : memref<3x!tpu.dma_semaphore, #tpu.memory_space<semaphore_mem>> -> memref<1x!tpu.dma_semaphore, #tpu.memory_space<semaphore_mem>>
    %dma_start3A_360 = tpu.memref_squeeze %dma_start3A_359 : memref<1x!tpu.dma_semaphore, #tpu.memory_space<semaphore_mem>> -> memref<!tpu.dma_semaphore, #tpu.memory_space<semaphore_mem>>
    %dma_start3A_361 = arith.constant 0 : i32
    %dma_start3A_362 = arith.constant 749952 : i32
    %dma_start3A_363 = tpu.memref_slice %arg1[%dma_start3A_361, %dma_start3A_362] : memref<16x1000000xf32, #tpu.memory_space<hbm>> -> memref<16x83328xf32, #tpu.memory_space<hbm>>
    %dma_start3A_364 = arith.constant 0 : i32
    %dma_start3A_365 = arith.constant 0 : i32
    %dma_start3A_366 = tpu.memref_slice %arg2[%dma_start3A_364, %dma_start3A_365] : memref<16x83328xf32, #tpu.memory_space<vmem>> -> memref<16x83328xf32, #tpu.memory_space<vmem>>
    tpu.enqueue_dma source(%dma_start3A_366 : memref<16x83328xf32, #tpu.memory_space<vmem>>) target(%dma_start3A_363 : memref<16x83328xf32, #tpu.memory_space<hbm>>) target_semaphore(%dma_start3A_360 : memref<!tpu.dma_semaphore, #tpu.memory_space<semaphore_mem>>)
    %dma_wait3A_367 = arith.constant 1 : i32
    %dma_wait3A_368 = tpu.memref_slice %arg5[%dma_wait3A_367] : memref<3x!tpu.dma_semaphore, #tpu.memory_space<semaphore_mem>> -> memref<1x!tpu.dma_semaphore, #tpu.memory_space<semaphore_mem>>
    %dma_wait3A_369 = tpu.memref_squeeze %dma_wait3A_368 : memref<1x!tpu.dma_semaphore, #tpu.memory_space<semaphore_mem>> -> memref<!tpu.dma_semaphore, #tpu.memory_space<semaphore_mem>>
    %dma_wait3A_370 = arith.constant 0 : i32
    %dma_wait3A_371 = arith.constant 0 : i32
    %dma_wait3A_372 = tpu.memref_slice %arg3[%dma_wait3A_370, %dma_wait3A_371] : memref<16x83328xf32, #tpu.memory_space<vmem>> -> memref<16x83328xf32, #tpu.memory_space<vmem>>
    %dma_wait3A_373 = arith.constant 0 : i32
    %dma_wait3A_374 = arith.constant 833280 : i32
    %dma_wait3A_375 = tpu.memref_slice %arg0[%dma_wait3A_373, %dma_wait3A_374] : memref<16x1000000xf32, #tpu.memory_space<hbm>> -> memref<16x83328xf32, #tpu.memory_space<hbm>>
    tpu.wait_dma2 semaphore(%dma_wait3A_369 : memref<!tpu.dma_semaphore, #tpu.memory_space<semaphore_mem>>) src(%dma_wait3A_375 : memref<16x83328xf32, #tpu.memory_space<hbm>>) dst(%dma_wait3A_372 : memref<16x83328xf32, #tpu.memory_space<vmem>>)
    %dma_start3A_376 = arith.constant 1 : i32
    %dma_start3A_377 = tpu.memref_slice %arg6[%dma_start3A_376] : memref<3x!tpu.dma_semaphore, #tpu.memory_space<semaphore_mem>> -> memref<1x!tpu.dma_semaphore, #tpu.memory_space<semaphore_mem>>
    %dma_start3A_378 = tpu.memref_squeeze %dma_start3A_377 : memref<1x!tpu.dma_semaphore, #tpu.memory_space<semaphore_mem>> -> memref<!tpu.dma_semaphore, #tpu.memory_space<semaphore_mem>>
    %dma_start3A_379 = arith.constant 0 : i32
    %dma_start3A_380 = arith.constant 833280 : i32
    %dma_start3A_381 = tpu.memref_slice %arg1[%dma_start3A_379, %dma_start3A_380] : memref<16x1000000xf32, #tpu.memory_space<hbm>> -> memref<16x83328xf32, #tpu.memory_space<hbm>>
    %dma_start3A_382 = arith.constant 0 : i32
    %dma_start3A_383 = arith.constant 0 : i32
    %dma_start3A_384 = tpu.memref_slice %arg3[%dma_start3A_382, %dma_start3A_383] : memref<16x83328xf32, #tpu.memory_space<vmem>> -> memref<16x83328xf32, #tpu.memory_space<vmem>>
    tpu.enqueue_dma source(%dma_start3A_384 : memref<16x83328xf32, #tpu.memory_space<vmem>>) target(%dma_start3A_381 : memref<16x83328xf32, #tpu.memory_space<hbm>>) target_semaphore(%dma_start3A_378 : memref<!tpu.dma_semaphore, #tpu.memory_space<semaphore_mem>>)
    %dma_wait3A_385 = arith.constant 2 : i32
    %dma_wait3A_386 = tpu.memref_slice %arg5[%dma_wait3A_385] : memref<3x!tpu.dma_semaphore, #tpu.memory_space<semaphore_mem>> -> memref<1x!tpu.dma_semaphore, #tpu.memory_space<semaphore_mem>>
    %dma_wait3A_387 = tpu.memref_squeeze %dma_wait3A_386 : memref<1x!tpu.dma_semaphore, #tpu.memory_space<semaphore_mem>> -> memref<!tpu.dma_semaphore, #tpu.memory_space<semaphore_mem>>
    %dma_wait3A_388 = arith.constant 0 : i32
    %dma_wait3A_389 = arith.constant 0 : i32
    %dma_wait3A_390 = tpu.memref_slice %arg4[%dma_wait3A_388, %dma_wait3A_389] : memref<16x83328xf32, #tpu.memory_space<vmem>> -> memref<16x83328xf32, #tpu.memory_space<vmem>>
    %dma_wait3A_391 = arith.constant 0 : i32
    %dma_wait3A_392 = arith.constant 916608 : i32
    %dma_wait3A_393 = tpu.memref_slice %arg0[%dma_wait3A_391, %dma_wait3A_392] : memref<16x1000000xf32, #tpu.memory_space<hbm>> -> memref<16x83328xf32, #tpu.memory_space<hbm>>
    tpu.wait_dma2 semaphore(%dma_wait3A_387 : memref<!tpu.dma_semaphore, #tpu.memory_space<semaphore_mem>>) src(%dma_wait3A_393 : memref<16x83328xf32, #tpu.memory_space<hbm>>) dst(%dma_wait3A_390 : memref<16x83328xf32, #tpu.memory_space<vmem>>)
    %dma_start3A_394 = arith.constant 2 : i32
    %dma_start3A_395 = tpu.memref_slice %arg6[%dma_start3A_394] : memref<3x!tpu.dma_semaphore, #tpu.memory_space<semaphore_mem>> -> memref<1x!tpu.dma_semaphore, #tpu.memory_space<semaphore_mem>>
    %dma_start3A_396 = tpu.memref_squeeze %dma_start3A_395 : memref<1x!tpu.dma_semaphore, #tpu.memory_space<semaphore_mem>> -> memref<!tpu.dma_semaphore, #tpu.memory_space<semaphore_mem>>
    %dma_start3A_397 = arith.constant 0 : i32
    %dma_start3A_398 = arith.constant 916608 : i32
    %dma_start3A_399 = tpu.memref_slice %arg1[%dma_start3A_397, %dma_start3A_398] : memref<16x1000000xf32, #tpu.memory_space<hbm>> -> memref<16x83328xf32, #tpu.memory_space<hbm>>
    %dma_start3A_400 = arith.constant 0 : i32
    %dma_start3A_401 = arith.constant 0 : i32
    %dma_start3A_402 = tpu.memref_slice %arg4[%dma_start3A_400, %dma_start3A_401] : memref<16x83328xf32, #tpu.memory_space<vmem>> -> memref<16x83328xf32, #tpu.memory_space<vmem>>
    tpu.enqueue_dma source(%dma_start3A_402 : memref<16x83328xf32, #tpu.memory_space<vmem>>) target(%dma_start3A_399 : memref<16x83328xf32, #tpu.memory_space<hbm>>) target_semaphore(%dma_start3A_396 : memref<!tpu.dma_semaphore, #tpu.memory_space<semaphore_mem>>)
    %dma_wait3A_403 = arith.constant 0 : i32
    %dma_wait3A_404 = tpu.memref_slice %arg6[%dma_wait3A_403] : memref<3x!tpu.dma_semaphore, #tpu.memory_space<semaphore_mem>> -> memref<1x!tpu.dma_semaphore, #tpu.memory_space<semaphore_mem>>
    %dma_wait3A_405 = tpu.memref_squeeze %dma_wait3A_404 : memref<1x!tpu.dma_semaphore, #tpu.memory_space<semaphore_mem>> -> memref<!tpu.dma_semaphore, #tpu.memory_space<semaphore_mem>>
    %dma_wait3A_406 = arith.constant 0 : i32
    %dma_wait3A_407 = arith.constant 749952 : i32
    %dma_wait3A_408 = tpu.memref_slice %arg1[%dma_wait3A_406, %dma_wait3A_407] : memref<16x1000000xf32, #tpu.memory_space<hbm>> -> memref<16x83328xf32, #tpu.memory_space<hbm>>
    %dma_wait3A_409 = arith.constant 0 : i32
    %dma_wait3A_410 = arith.constant 0 : i32
    %dma_wait3A_411 = tpu.memref_slice %arg2[%dma_wait3A_409, %dma_wait3A_410] : memref<16x83328xf32, #tpu.memory_space<vmem>> -> memref<16x83328xf32, #tpu.memory_space<vmem>>
    tpu.wait_dma2 semaphore(%dma_wait3A_405 : memref<!tpu.dma_semaphore, #tpu.memory_space<semaphore_mem>>) src(%dma_wait3A_411 : memref<16x83328xf32, #tpu.memory_space<vmem>>) dst(%dma_wait3A_408 : memref<16x83328xf32, #tpu.memory_space<hbm>>)
    %dma_wait3A_412 = arith.constant 1 : i32
    %dma_wait3A_413 = tpu.memref_slice %arg6[%dma_wait3A_412] : memref<3x!tpu.dma_semaphore, #tpu.memory_space<semaphore_mem>> -> memref<1x!tpu.dma_semaphore, #tpu.memory_space<semaphore_mem>>
    %dma_wait3A_414 = tpu.memref_squeeze %dma_wait3A_413 : memref<1x!tpu.dma_semaphore, #tpu.memory_space<semaphore_mem>> -> memref<!tpu.dma_semaphore, #tpu.memory_space<semaphore_mem>>
    %dma_wait3A_415 = arith.constant 0 : i32
    %dma_wait3A_416 = arith.constant 833280 : i32
    %dma_wait3A_417 = tpu.memref_slice %arg1[%dma_wait3A_415, %dma_wait3A_416] : memref<16x1000000xf32, #tpu.memory_space<hbm>> -> memref<16x83328xf32, #tpu.memory_space<hbm>>
    %dma_wait3A_418 = arith.constant 0 : i32
    %dma_wait3A_419 = arith.constant 0 : i32
    %dma_wait3A_420 = tpu.memref_slice %arg3[%dma_wait3A_418, %dma_wait3A_419] : memref<16x83328xf32, #tpu.memory_space<vmem>> -> memref<16x83328xf32, #tpu.memory_space<vmem>>
    tpu.wait_dma2 semaphore(%dma_wait3A_414 : memref<!tpu.dma_semaphore, #tpu.memory_space<semaphore_mem>>) src(%dma_wait3A_420 : memref<16x83328xf32, #tpu.memory_space<vmem>>) dst(%dma_wait3A_417 : memref<16x83328xf32, #tpu.memory_space<hbm>>)
    %dma_wait3A_421 = arith.constant 2 : i32
    %dma_wait3A_422 = tpu.memref_slice %arg6[%dma_wait3A_421] : memref<3x!tpu.dma_semaphore, #tpu.memory_space<semaphore_mem>> -> memref<1x!tpu.dma_semaphore, #tpu.memory_space<semaphore_mem>>
    %dma_wait3A_423 = tpu.memref_squeeze %dma_wait3A_422 : memref<1x!tpu.dma_semaphore, #tpu.memory_space<semaphore_mem>> -> memref<!tpu.dma_semaphore, #tpu.memory_space<semaphore_mem>>
    %dma_wait3A_424 = arith.constant 0 : i32
    %dma_wait3A_425 = arith.constant 916608 : i32
    %dma_wait3A_426 = tpu.memref_slice %arg1[%dma_wait3A_424, %dma_wait3A_425] : memref<16x1000000xf32, #tpu.memory_space<hbm>> -> memref<16x83328xf32, #tpu.memory_space<hbm>>
    %dma_wait3A_427 = arith.constant 0 : i32
    %dma_wait3A_428 = arith.constant 0 : i32
    %dma_wait3A_429 = tpu.memref_slice %arg4[%dma_wait3A_427, %dma_wait3A_428] : memref<16x83328xf32, #tpu.memory_space<vmem>> -> memref<16x83328xf32, #tpu.memory_space<vmem>>
    tpu.wait_dma2 semaphore(%dma_wait3A_423 : memref<!tpu.dma_semaphore, #tpu.memory_space<semaphore_mem>>) src(%dma_wait3A_429 : memref<16x83328xf32, #tpu.memory_space<vmem>>) dst(%dma_wait3A_426 : memref<16x83328xf32, #tpu.memory_space<hbm>>)
    return
  }
}

</mosaic_0001>

<sc_bundles>
// kernel: kernel.4.cloned.1.call-start
scs
__scs_entry_jumppad:
0x0: {  	(pc) =	sbr.rel $0x88, $3  }
0x1: {  	(tag) =	ssettag $0x0;
	lr =	simm.s32 $0x1  }
0x2: {  	[smem:$0x3F9F] =	sst lr;
	_ =	strace $0xD0000000  }
0x3: {  	_ = 	snop  }
0x4: {  	_ = 	snop  }
0x5: {  	_ = 	snop  }
0x6: {  	_ = 	snop  }
0x7: {  	_ = 	snop  }
__scs_overlays_trampoline_lowered:
0x8: {  	[smem:$0x3FAE] =	sst s0  }
0x9: {  	[smem:$0x3FAF] =	sst s1  }
0xa: {  	[smem:$0x3FB0] =	sst s2  }
0xb: {  	[smem:$0x3FB1] =	sst s3  }
0xc: {  	[smem:$0x3FB2] =	sst s4  }
0xd: {  	[smem:$0x3FB3] =	sst s5  }
0xe: {  	[smem:$0x3FB4] =	sst s6  }
0xf: {  	[smem:$0x3FB5] =	sst s7  }
0x10: {  	[smem:$0x3FB6] =	sst s8  }
0x11: {  	[smem:$0x3FB7] =	sst s9;
	s0 =	simm.s32 @!p0 $0x0  }
0x12: {  	s1 =	sld [smem:$0x3F9D];
	s0 =	simm.s32 @p0 $0x1  }
0x13: {  	[smem:$0x3FB8] =	sst s0;
	s0 =	simm.s32 @!p1 $0x0  }
0x14: {  	s2 =	sld [smem:$0x3F9C];
	s0 =	simm.s32 @p1 $0x1  }
0x15: {  	[smem:$0x3FB9] =	sst s0;
	s0 =	simm.s32 @!p2 $0x0  }
0x16: {  	s3 =	sld [smem:$0x3FDB];
	s0 =	simm.s32 @p2 $0x1  }
0x17: {  	s4 =	simm.s32 $0x1BF5;
	[smem:$0x3FBB] =	sst s0  }
0x18: {  	s0 =	sld [smem:$0x3F9E];
	_ =	swait.ge [sflag:s4], $0x0  }
0x19: {  	s7 =	sld [smem:$0x3F9F]  }
0x1a: {  	s8 =	sadd.s32 $0xFFFFE003, lr  }
0x1b: {  	s9 =	sadd.s32 $0xFFFFFEF7, lr;
	s5 =	simm.s32 $0xFFFFFFFF;
	p2 =	slt.u32 s8, $0xFFFFF086  }
0x1c: {  	p1 =	slt.u32 s9, $0xF7A;
	s5 =	simm.s32 @!p2 $0x0  }
0x1d: {  	s5 =	simm.s32 @p1 $0x1;
	p0 =	seq.s32 s7, s2  }
0x1e: {  	s7 =	smul.u32 @!p0 $0xF7A, s2;
	p2 =	seq.s32 @!p0 s5, $0x0  }
0x1f: {  	s9 =	smul.u32 $0xF7A, s1;
	s8 =	simm.s32 @!p0 $0x1BF5;
	p2 =	por !p2, p0  }
0x20: {  	[sflag:s8] =	ssyncset.s32 @!p0 $0xFFFFF086;
	s6 =	sadd.s32 @!p0 s3, s7;
	s7 =	simm.s32 @!p0 $0x108  }
0x21: {  	s3 =	sadd.s32 s3, s9;
	s6 =	sadd.s32 @!p0 $0x88, s6;
	s7 =	simm.s32 @p2 $0x1082  }
0x22: {  	[simem:s7], [sflag:s8] =	dma.local @!p0 [hbm:s6], $0xF7A  }
0x23: {  	s9 =	sor.u32 $0xD0000000, s2;
	s6 =	simm.s32 $0x108;
	_ =	swait.ge @!p0 [sflag:s8], $0x0  }
0x24: {  	s3 =	sadd.s32 $0x88, s3;
	s6 =	simm.s32 @!p1 $0x1082;
	[sflag:s4] =	ssyncset.s32 $0xFFFFF086  }
0x25: {  	[simem:s6], [sflag:s4] =	dma.local [hbm:s3], $0xF7A  }
0x26: {  	[smem:$0x3F9F] =	sst s1;
	(tag) =	ssettag s2;
	_ =	strace s9  }
0x27: {  	s1 =	sld [smem:$0x3FAF]  }
0x28: {  	s2 =	sld [smem:$0x3FB0]  }
0x29: {  	s4 =	sld [smem:$0x3FB2]  }
0x2a: {  	p0 =	seq.s32 s5, $0x0;
	s5 =	sld [smem:$0x3FB3]  }
0x2b: {  	s6 =	sld [smem:$0x3FB4]  }
0x2c: {  	s7 =	sld [smem:$0x3FB5]  }
0x2d: {  	s3 =	simm.s32 $0x108;
	s8 =	sld [smem:$0x3FB6]  }
0x2e: {  	s3 =	simm.s32 @!p0 $0x1082;
	s9 =	sld [smem:$0x3FB7]  }
0x2f: {  	lr =	sadd.s32 s0, s3;
	s0 =	sld [smem:$0x3FAE]  }
0x30: {  	s3 =	sld [smem:$0x3FB1]  }
0x31: {  	[smem:$0x3FBA] =	sst s10  }
0x32: {  	s10 =	sld [smem:$0x3FB8];
	_ =	sdelay $0x3  }
0x33: {  	p0 =	seq.s32 s10, $0x1;
	s10 =	sld [smem:$0x3FBA];
	_ =	sdelay $0x3  }
0x34: {  	[smem:$0x3FBA] =	sst s10  }
0x35: {  	s10 =	sld [smem:$0x3FB9];
	_ =	sdelay $0x3  }
0x36: {  	p1 =	seq.s32 s10, $0x1;
	s10 =	sld [smem:$0x3FBA];
	_ =	sdelay $0x3  }
0x37: {  	[smem:$0x3FBA] =	sst s10  }
0x38: {  	s10 =	sld [smem:$0x3FBB]  }
0x39: {  	_ = 	snop;
	(pc) =	sbr.ind lr, $3  }
0x3a: {  	_ = 	snop  }
0x3b: {  	_ = 	snop  }
0x3c: {  	p2 =	seq.s32 s10, $0x1;
	s10 =	sld [smem:$0x3FBA]  }
0x3d: {  	_ =	shalt  }
0x3e: {  	_ =	shalt  }
0x3f: {  	_ =	shalt  }
0x40: {  	_ =	shalt  }
0x41: {  	_ =	shalt  }
0x42: {  	_ =	shalt  }
0x43: {  	_ =	shalt  }
0x44: {  	_ =	shalt  }
0x45: {  	_ =	shalt  }
0x46: {  	_ =	shalt  }
0x47: {  	_ =	shalt  }
0x48: {  	_ =	shalt  }
0x49: {  	_ =	shalt  }
0x4a: {  	_ =	shalt  }
0x4b: {  	_ =	shalt  }
0x4c: {  	_ =	shalt  }
0x4d: {  	_ =	shalt  }
0x4e: {  	_ =	shalt  }
0x4f: {  	_ =	shalt  }
0x50: {  	_ =	shalt  }
0x51: {  	_ =	shalt  }
0x52: {  	_ =	shalt  }
0x53: {  	_ =	shalt  }
0x54: {  	_ =	shalt  }
0x55: {  	_ =	shalt  }
0x56: {  	_ =	shalt  }
0x57: {  	_ =	shalt  }
0x58: {  	_ =	shalt  }
0x59: {  	_ =	shalt  }
0x5a: {  	_ =	shalt  }
0x5b: {  	_ =	shalt  }
0x5c: {  	_ =	shalt  }
0x5d: {  	_ =	shalt  }
0x5e: {  	_ =	shalt  }
0x5f: {  	_ =	shalt  }
0x60: {  	_ =	shalt  }
0x61: {  	_ =	shalt  }
0x62: {  	_ =	shalt  }
0x63: {  	_ =	shalt  }
0x64: {  	_ =	shalt  }
0x65: {  	_ =	shalt  }
0x66: {  	_ =	shalt  }
0x67: {  	_ =	shalt  }
0x68: {  	_ =	shalt  }
0x69: {  	_ =	shalt  }
0x6a: {  	_ =	shalt  }
0x6b: {  	_ =	shalt  }
0x6c: {  	_ =	shalt  }
0x6d: {  	_ =	shalt  }
0x6e: {  	_ =	shalt  }
0x6f: {  	_ =	shalt  }
0x70: {  	_ =	shalt  }
0x71: {  	_ =	shalt  }
0x72: {  	_ =	shalt  }
0x73: {  	_ =	shalt  }
0x74: {  	_ =	shalt  }
0x75: {  	_ =	shalt  }
0x76: {  	_ =	shalt  }
0x77: {  	_ =	shalt  }
0x78: {  	_ =	shalt  }
0x79: {  	_ =	shalt  }
0x7a: {  	_ =	shalt  }
0x7b: {  	_ =	shalt  }
0x7c: {  	_ =	shalt  }
0x7d: {  	_ =	shalt  }
0x7e: {  	_ =	shalt  }
0x7f: {  	_ =	shalt  }
0x80: {  	_ =	shalt  }
0x81: {  	_ =	shalt  }
0x82: {  	_ =	shalt  }
0x83: {  	_ =	shalt  }
0x84: {  	_ =	shalt  }
0x85: {  	_ =	shalt  }
0x86: {  	_ =	shalt  }
0x87: {  	_ =	shalt  }
.Lfunc_end0:
.L_simem_size_0:
called_computation_lowered:
.L_overlay_start_0:
0x88: {  	s2 =	sld [smem:$0x3FD9]  }
0x89: {  	s3 =	sld [smem:$0x3FFE];
	_ =	sdelay $0x1  }
0x8a: {  	s1 =	srdreg.scid  }
0x8b: {  	s0 =	sand.u32 $0x1, s1  }
0x8c: {  	s15 =	sshll.u32 s0, $0xA;
	s2 =	sadd.s32 s3, s2  }
0x8d: {  	s2 =	sadd.s32 s2, s15  }
0x8e: {  	[smem:$0x3FC6] =	sst s2  }
0x8f: {  	_ = 	snop  }
0x90: {  	s2 =	sld [smem:$0x3FD0];
	_ =	sdelay $0x2  }
0x91: {  	s4 =	simm.s32 $0xA;
	s5 =	simm.s32 $0x10;
	s16 =	sld [smem:$0x3FC9]  }
0x92: {  	[smem:s5], [sflag:s4] =	dma.local [hbm:s2], $0x1  }
0x93: {  	_ =	swait.eq [sflag:s4], $0x1  }
0x94: {  	[sflag:s4] =	ssyncset.done $0x0  }
0x95: {  	[sflag:s4] =	ssyncadd.s32 $0xFFFFFFFF  }
0x96: {  	s17 =	sld [smem:$0x10];
	(tm) =	ssettm $0x1  }
0x97: {  	s18 =	sld [smem:$0x3FFB];
	_ =	sdelay $0x3  }
0x98: {  	_ =	strace s18  }
0x99: {  	s4 =	sld [smem:$0x3FFC];
	_ =	sdelay $0x3  }
0x9a: {  	_ =	strace s4  }
0x9b: {  	s4 =	sld [smem:$0x3FFD];
	_ =	sdelay $0x3  }
0x9c: {  	_ =	strace s4  }
0x9d: {  	_ =	strace $0x8FFFFFFF  }
0x9e: {  	s19 =	sld [smem:$0x3FDB];
	_ =	sdelay $0x1  }
0x9f: {  	s20 =	simm.s32 $_scs_section_size  }
0xa0: {  	s6 =	simm.s32 $_size__tile_overlayer_lowered;
	s7 =	simm.s32 $_tile_overlayer_lowered  }
0xa1: {  	s23 =	simm.s32 $0x1BFF;
	s22 =	sshll.u32 s7, $0x1;
	s4 =	sadd.s32 s20, s19  }
0xa2: {  	s8 =	simm.s32 $0x0;
	s21 =	sshll.u32 s6, $0x1;
	s6 =	sadd.s32 s22, s4  }
0xa3: {  	[timem:s8], [sflag:s23] =	dma.local [hbm:s6], s21  }
0xa4: {  	_ =	swait.ge [sflag:s23], s21  }
0xa5: {  	s5 =	ssub.s32 $0x0, s21;
	[sflag:s23] =	ssyncset.done $0x0  }
0xa6: {  	[sflag:s23] =	ssyncadd.s32 s5;
	_ =	sdelay $0x1  }
0xa7: {  	s24 =	simm.s32 $0x1B8B  }
0xa8: {  	_ =	swait.ge [sflag:s24], $0x1  }
0xa9: {  	[sflag:s24] =	ssyncset.done $0x0  }
0xaa: {  	s25 =	simm.s32 $0x1B8E;
	[sflag:s24] =	ssyncadd.s32 $0xFFFFFFFF  }
0xab: {  	s26 =	simm.s32 $execute0_lowered;
	[smem:$0x3FD2] =	sst s25  }
0xac: {  	s5 =	sshll.u32 s26, $0x1;
	_ =	strace $0x80000046;
	[dreg:$0x1] =	wrdreg $0xFFFFFFFF  }
0xad: {  	s28 =	simm.s32 $_size_execute0_lowered;
	s4 =	sadd.s32 s4, s5;
	[dreg:$0x0] =	wrdreg $0x0  }
0xae: {  	s5 =	sshll.u32 s28, $0x1;
	[dreg:$0x2] =	wrdreg s4  }
0xaf: {  	[dreg:$0x3] =	wrdreg s5  }
0xb0: {  	[dreg:$0x4] =	wrdreg $0xC0  }
0xb1: {  	_ =	task [dreg:s8], $0x5FFFF  }
0xb2: {  	[dreg:$0x1] =	wrdreg $0xFFFFFFFF  }
0xb3: {  	[dreg:$0x0] =	wrdreg $0x60  }
0xb4: {  	[dreg:$0x2] =	wrdreg s16  }
0xb5: {  	[dreg:$0x3] =	wrdreg s17  }
0xb6: {  	[dreg:$0x4] =	wrdreg $0x9  }
0xb7: {  	_ =	task.clear_ibuf [dreg:s8], $0x5FFFF;
	_ =	strace $0x90000046  }
0xb8: {  	s29 =	simm.s32 $0x9;
	_ =	strace $0x80000048  }
0xb9: {  	_ =	swait.ge [sflag:s29], $0x1  }
0xba: {  	[sflag:s29] =	ssyncadd.s32 $0xFFFFFFFF  }
0xbb: {  	_ =	strace $0x90000048  }
0xbc: {  	_ =	sfence  }
0xbd: {  	s30 =	sld [smem:$0x0];
	_ =	sdelay $0x2  }
0xbe: {  	s31 =	sshll.u32 s1, $0xD;
	s1 =	sshrl.u32 s1, $0x2  }
0xbf: {  	s3 =	sand.u32 $0x4000, s31;
	s1 =	sadd.s32 s1, s30  }
0xc0: {  	s0 =	sor.u32 s3, s0;
	s1 =	sshll.u32 s1, $0x11  }
0xc1: {  	s0 =	sor.u32 s1, s0  }
0xc2: {  	s0 =	sadd.s32 $0x8F2B, s0  }
0xc3: {  	[sflag:s0] =	ssyncadd.remote.s32 $0x1  }
0xc4: {  	_ =	sfence.sel $0xFFFF  }
0xc5: {  	[dreg:$0x0] =	wrdreg $0xFFFFFFFF;
	(pc) =	sbr.abs _section_cstart, $3  }
0xc6: {  	[dreg:$0x1] =	wrdreg $0xFFFFFFFF  }
0xc7: {  	_ =	task.clear_ibuf [dreg:s8], $0x2FFFF;
	_ =	strace $0x9FFFFFFF  }
0xc8: {  	(tm) =	ssettm $0x7FFFFFFF  }
0xc9: {  	_ =	shalt  }
tec
execute0_lowered:
.L_overlay_start_1:
0x0: {  	(tag) =	ssettag $0x1  }
0x1: {  	s3 =	rddreg [dreg:$0x0]  }
0x2: {  	s0 =	srdreg.scid;
	s5 =	rddreg [dreg:$0x1]  }
0x3: {  	s26 =	stileid.u32;
	s28 =	rddreg [dreg:$0x2]  }
0x4: {  	s2 =	simm.s32 $0x0;
	s12 =	simm.s32 $0x4;
	p1 =	por $0x0, $0x0  }
0x5: {  	s0 =	sand.u32 $0x1, s0;
	s1 =	sshll.u32 s26, $0x1;
	[smem:$0x7FF] =	sst s2  }
0x6: {  	p0 =	sgt.u32 s26, $0x1;
	s1 =	sor.u32 s0, s1;
	s0 =	ssub.s32 $0x2, s0  }
0x7: {  	_ =	strace $0x80000047;
	s4 =	smul.u32 $0x3D000, s1;
	s9 =	sshrl.u32 s0, $0x1  }
0x8: {  	s6 =	smul.u32 $0x7A00, s1;
	s1 =	sshll.u32 s1, $0x7;
	s0 =	ssub.s32 s0, s9  }
0x9: {  	s1 =	sor.u32 $0xF4000, s1;
	s9 =	simm.s32 $0x7800;
	s4 =	sshrl.u32 s4, $0x3  }
0xa: {  	s7 =	sadd.s32 s3, s6;
	s6 =	sadd.s32 s5, s6;
	s0 =	smax.u32 s0, $0x1  }
0xb: {  	s8 =	sadd.s32 $0xF00, s4;
	[dreg:$0x3] =	wrdreg s7;
	s14 =	sadd.s32 $0x1E00, s4  }
0xc: {  	[dreg:$0x5] =	wrdreg s6;
	s17 =	sadd.s32 $0x2D00, s4;
	s19 =	sadd.s32 $0x3C00, s4  }
0xd: {  	s20 =	sadd.s32 $0x4B00, s4;
	s29 =	sadd.s32 $0x5A00, s4;
	s31 =	sadd.s32 $0x6900, s4  }
0xe: {  	s4 =	sadd.s32 $0x7800, s4;
	s7 =	simm.s32 $0x3;
	s0 =	sadd.s32 $0xFFFFFFFF, s0  }
0xf: {  	s13 =	sadd.s32 s3, s8;
	s15 =	sadd.s32 s3, s14;
	s16 =	sadd.s32 s5, s8  }
0x10: {  	s18 =	sadd.s32 s3, s17;
	s25 =	sadd.s32 s5, s14;
	s24 =	sadd.s32 s3, s19  }
0x11: {  	s23 =	sadd.s32 s5, s17;
	s22 =	sadd.s32 s3, s20;
	s21 =	sadd.s32 s5, s19  }
0x12: {  	s19 =	sadd.s32 s3, s29;
	s14 =	sadd.s32 s5, s29;
	s11 =	sadd.s32 s3, s4  }
0x13: {  	s8 =	sadd.s32 s5, s31;
	p2 =	sne.s32 s0, $0x0;
	[dreg:$0x4] =	wrdreg s13  }
.Ltmp0:
0x14: {  	s6 =	sadd.s32 s5, s4;
	[dreg:$0x6] =	wrdreg s15;
	(pc) =	sbr.rel @!p2 .LBB2_5-.Ltmp0, $4  }
0x15: {  	s4 =	sadd.s32 s3, s1;
	s17 =	simm.s32 $0xF000;
	[dreg:$0x7] =	wrdreg s16  }
0x16: {  	[dreg:$0x8] =	wrdreg s18;
	s18 =	sadd.s32 s5, s20;
	s16 =	sadd.s32 s3, s31  }
0x17: {  	s3 =	sadd.s32 s5, s1;
	s15 =	simm.s32 $0x7A1400;
	s13 =	simm.s32 $0x1  }
0x18: {  	s20 =	simm.s32 $0x2;
	s10 =	sadd.s32 @!p0 $0xF4280, s4;
	s5 =	sadd.s32 @!p0 $0xF4280, s3  }
0x19: {  	s1 =	rddreg [dreg:$0x3]  }
0x1a: {  	[tilespmem:s2], [sflag:$0x1] =	stream.strided.gather [hbm4b:s1+s9], $0xF000, s15, s9, $0x38;
	[tilespmem:$0x1E000] =	vst v63  }
0x1b: {  	s26 =	rddreg [dreg:$0x4]  }
0x1c: {  	[tilespmem:s17], [sflag:$0x2] =	stream.strided.gather [hbm4b:s26+s9], $0xF000, s15, s9, $0x38;
	[tilespmem:$0x1E000] =	vst v63  }
0x1d: {  	_ =	swait.ge [sflag:s13], $0xF000  }
0x1e: {  	[sflag:s13] =	ssyncset.done $0x0  }
0x1f: {  	s26 =	rddreg [dreg:$0x5];
	[sflag:s13] =	ssyncadd.s32 $0xFFFF1000  }
0x20: {  	[hbm4b:s26+s9] =	stream.strided.scatter [tilespmem:s2], [sflag:$0x3], $0xF000, s15, s9, $0x38;
	[tilespmem:$0x1E000] =	vst v63  }
0x21: {  	_ =	swait.ge [sflag:s7], $0xF000  }
0x22: {  	[sflag:s7] =	ssyncset.done $0x0  }
0x23: {  	s28 =	rddreg [dreg:$0x6];
	[sflag:s7] =	ssyncadd.s32 $0xFFFF1000  }
0x24: {  	[tilespmem:s2], [sflag:$0x1] =	stream.strided.gather [hbm4b:s28+s9], $0xF000, s15, s9, $0x38;
	[tilespmem:$0x1E000] =	vst v63  }
0x25: {  	_ =	swait.ge [sflag:s20], $0xF000  }
0x26: {  	[sflag:s20] =	ssyncset.done $0x0  }
0x27: {  	s26 =	rddreg [dreg:$0x7];
	[sflag:s20] =	ssyncadd.s32 $0xFFFF1000  }
0x28: {  	[hbm4b:s26+s9] =	stream.strided.scatter [tilespmem:s17], [sflag:$0x4], $0xF000, s15, s9, $0x38;
	[tilespmem:$0x1E000] =	vst v63  }
0x29: {  	_ =	swait.ge [sflag:s12], $0xF000  }
0x2a: {  	[sflag:s12] =	ssyncset.done $0x0  }
0x2b: {  	s28 =	rddreg [dreg:$0x8];
	[sflag:s12] =	ssyncadd.s32 $0xFFFF1000  }
0x2c: {  	[tilespmem:s17], [sflag:$0x2] =	stream.strided.gather [hbm4b:s28+s9], $0xF000, s15, s9, $0x38;
	[tilespmem:$0x1E000] =	vst v63  }
0x2d: {  	_ =	swait.ge [sflag:s13], $0xF000  }
0x2e: {  	[sflag:s13] =	ssyncset.done $0x0  }
0x2f: {  	[sflag:s13] =	ssyncadd.s32 $0xFFFF1000  }
0x30: {  	[hbm4b:s25+s9] =	stream.strided.scatter [tilespmem:s2], [sflag:$0x3], $0xF000, s15, s9, $0x38;
	[tilespmem:$0x1E000] =	vst v63  }
0x31: {  	_ =	swait.ge [sflag:s7], $0xF000  }
0x32: {  	[sflag:s7] =	ssyncset.done $0x0  }
0x33: {  	[sflag:s7] =	ssyncadd.s32 $0xFFFF1000  }
0x34: {  	[tilespmem:s2], [sflag:$0x1] =	stream.strided.gather [hbm4b:s24+s9], $0xF000, s15, s9, $0x38;
	[tilespmem:$0x1E000] =	vst v63  }
0x35: {  	_ =	swait.ge [sflag:s20], $0xF000  }
0x36: {  	[sflag:s20] =	ssyncset.done $0x0  }
0x37: {  	[sflag:s20] =	ssyncadd.s32 $0xFFFF1000  }
0x38: {  	[hbm4b:s23+s9] =	stream.strided.scatter [tilespmem:s17], [sflag:$0x4], $0xF000, s15, s9, $0x38;
	[tilespmem:$0x1E000] =	vst v63  }
0x39: {  	_ =	swait.ge [sflag:s12], $0xF000  }
0x3a: {  	[sflag:s12] =	ssyncset.done $0x0  }
0x3b: {  	[sflag:s12] =	ssyncadd.s32 $0xFFFF1000  }
0x3c: {  	[tilespmem:s17], [sflag:$0x2] =	stream.strided.gather [hbm4b:s22+s9], $0xF000, s15, s9, $0x38;
	[tilespmem:$0x1E000] =	vst v63  }
0x3d: {  	_ =	swait.ge [sflag:s13], $0xF000  }
0x3e: {  	[sflag:s13] =	ssyncset.done $0x0  }
0x3f: {  	[sflag:s13] =	ssyncadd.s32 $0xFFFF1000  }
0x40: {  	[hbm4b:s21+s9] =	stream.strided.scatter [tilespmem:s2], [sflag:$0x3], $0xF000, s15, s9, $0x38;
	[tilespmem:$0x1E000] =	vst v63  }
0x41: {  	_ =	swait.ge [sflag:s7], $0xF000  }
0x42: {  	[sflag:s7] =	ssyncset.done $0x0  }
0x43: {  	[sflag:s7] =	ssyncadd.s32 $0xFFFF1000  }
0x44: {  	[tilespmem:s2], [sflag:$0x1] =	stream.strided.gather [hbm4b:s19+s9], $0xF000, s15, s9, $0x38;
	[tilespmem:$0x1E000] =	vst v63  }
0x45: {  	_ =	swait.ge [sflag:s20], $0xF000  }
0x46: {  	[sflag:s20] =	ssyncset.done $0x0  }
0x47: {  	[sflag:s20] =	ssyncadd.s32 $0xFFFF1000  }
0x48: {  	[hbm4b:s18+s9] =	stream.strided.scatter [tilespmem:s17], [sflag:$0x4], $0xF000, s15, s9, $0x38;
	[tilespmem:$0x1E000] =	vst v63  }
0x49: {  	_ =	swait.ge [sflag:s12], $0xF000  }
0x4a: {  	[sflag:s12] =	ssyncset.done $0x0  }
0x4b: {  	[sflag:s12] =	ssyncadd.s32 $0xFFFF1000  }
0x4c: {  	[tilespmem:s17], [sflag:$0x2] =	stream.strided.gather [hbm4b:s16+s9], $0xF000, s15, s9, $0x38;
	[tilespmem:$0x1E000] =	vst v63  }
0x4d: {  	_ =	swait.ge [sflag:s13], $0xF000  }
0x4e: {  	[sflag:s13] =	ssyncset.done $0x0  }
0x4f: {  	[sflag:s13] =	ssyncadd.s32 $0xFFFF1000  }
0x50: {  	[hbm4b:s14+s9] =	stream.strided.scatter [tilespmem:s2], [sflag:$0x3], $0xF000, s15, s9, $0x38;
	[tilespmem:$0x1E000] =	vst v63  }
0x51: {  	_ =	swait.ge [sflag:s7], $0xF000  }
0x52: {  	[sflag:s7] =	ssyncset.done $0x0  }
0x53: {  	s26 =	sadd.s32 $0xF4280, s11;
	[sflag:s7] =	ssyncadd.s32 $0xFFFF1000  }
0x54: {  	[tilespmem:s2], [sflag:$0x1] =	stream.linear.gather [hbm4b:s11+s2], $0x1000, $0x38;
	[tilespmem:$0x1E000] =	vst v63  }
0x55: {  	[dreg:$0x9] =	wrdreg s26  }
0x56: {  	[tilespmem:s9], [sflag:$0x1] =	stream.linear.gather [hbm4b:s26+s2], $0x1000, $0x38;
	[tilespmem:$0x1E000] =	vst v63  }
0x57: {  	_ =	swait.ge [sflag:s20], $0xF000  }
0x58: {  	[sflag:s20] =	ssyncset.done $0x0  }
0x59: {  	[sflag:s20] =	ssyncadd.s32 $0xFFFF1000  }
0x5a: {  	[hbm4b:s8+s9] =	stream.strided.scatter [tilespmem:s17], [sflag:$0x4], $0xF000, s15, s9, $0x38;
	[tilespmem:$0x1E000] =	vst v63  }
0x5b: {  	_ =	swait.ge [sflag:s13], $0x2000  }
0x5c: {  	[sflag:s13] =	ssyncset.done $0x0  }
0x5d: {  	s28 =	sadd.s32 $0xF4280, s6;
	[sflag:s13] =	ssyncadd.s32 $0xFFFFE000  }
0x5e: {  	[hbm4b:s6+s2] =	stream.linear.scatter [tilespmem:s2], [sflag:$0x3], $0x1000, $0x38;
	[tilespmem:$0x1E000] =	vst v63  }
0x5f: {  	[dreg:$0xa] =	wrdreg s28  }
0x60: {  	[hbm4b:s28+s2] =	stream.linear.scatter [tilespmem:s9], [sflag:$0x3], $0x1000, $0x38;
	[tilespmem:$0x1E000] =	vst v63  }
0x61: {  	_ =	swait.ge [sflag:s12], $0xF000  }
0x62: {  	[sflag:s12] =	ssyncset.done $0x0  }
0x63: {  	[sflag:s12] =	ssyncadd.s32 $0xFFFF1000  }
0x64: {  	_ =	swait.ge [sflag:s7], $0x2000  }
0x65: {  	[sflag:s7] =	ssyncset.done $0x0  }
0x66: {  	s29 =	simm.s32 @!p0 $0x0;
	[sflag:s7] =	ssyncadd.s32 $0xFFFFE000  }
0x67: {  	[tilespmem:s29], [sflag:$0x1] =	stream.linear.gather @!p0 [hbm4b:s4+s29], $0x400, $0x38;
	[tilespmem:$0x1E000] =	vst v63  }
0x68: {  	s31 =	simm.s32 @!p0 $0x7800;
	s1 =	simm.s32 @!p0 $0x1  }
0x69: {  	[tilespmem:s31], [sflag:$0x1] =	stream.linear.gather @!p0 [hbm4b:s10+s29], $0x400, $0x38;
	[tilespmem:$0x1E000] =	vst v63  }
0x6a: {  	_ =	swait.ge @!p0 [sflag:s1], $0x800  }
0x6b: {  	s0 =	sadd.s32 $0xFFFFFFFF, s0;
	[sflag:s1] =	ssyncset.done @!p0 $0x0  }
0x6c: {  	p2 =	sne.s32 s0, $0x0;
	[sflag:s1] =	ssyncadd.s32 @!p0 $0xFFFFF800  }
0x6d: {  	[hbm4b:s3+s29] =	stream.linear.scatter @!p0 [tilespmem:s29], [sflag:$0x3], $0x400, $0x38;
	[tilespmem:$0x1E000] =	vst v63  }
.Ltmp1:
0x6e: {  	_ = 	snop;
	(pc) =	sbr.rel @!p2 .LBB2_2-.Ltmp1, $4  }
0x6f: {  	s30 =	simm.s32 @!p0 $0x3  }
0x70: {  	[hbm4b:s5+s29] =	stream.linear.scatter @!p0 [tilespmem:s31], [sflag:$0x3], $0x400, $0x38;
	[tilespmem:$0x1E000] =	vst v63  }
0x71: {  	_ =	swait.ge @!p0 [sflag:s30], $0x800  }
0x72: {  	p1 =	por $0x1, $0x1;
	[sflag:s30] =	ssyncset.done @!p0 $0x0  }
.LBB2_3:
0x73: {  	s26 =	smov.u32 s24  }
0x74: {  	s24 =	smov.u32 s22;
	s22 =	smov.u32 s19;
	s19 =	smov.u32 s16  }
0x75: {  	s16 =	smov.u32 s11;
	s11 =	smov.u32 s8;
	s8 =	smov.u32 s5  }
0x76: {  	s5 =	smov.u32 s3;
	s3 =	rddreg [dreg:$0x3];
	[sflag:s30] =	ssyncadd.s32 @!p0 $0xFFFFF800  }
0x77: {  	s28 =	smov.u32 s25;
	s25 =	smov.u32 s23;
	s23 =	smov.u32 s21  }
0x78: {  	s21 =	smov.u32 s18;
	s18 =	smov.u32 s14;
	s14 =	smov.u32 s10  }
0x79: {  	[tilespmem:s2], [sflag:$0x1] =	stream.strided.gather [hbm4b:s3+s9], $0xF000, s15, s9, $0x38;
	[tilespmem:$0x1E000] =	vst v63  }
0x7a: {  	s10 =	smov.u32 s6;
	s6 =	smov.u32 s4;
	s4 =	rddreg [dreg:$0x4]  }
0x7b: {  	[tilespmem:s17], [sflag:$0x2] =	stream.strided.gather [hbm4b:s4+s9], $0xF000, s15, s9, $0x38;
	[tilespmem:$0x1E000] =	vst v63  }
0x7c: {  	_ =	swait.ge [sflag:s13], $0xF000  }
0x7d: {  	[sflag:s13] =	ssyncset.done $0x0  }
0x7e: {  	s3 =	rddreg [dreg:$0x5];
	[sflag:s13] =	ssyncadd.s32 $0xFFFF1000  }
0x7f: {  	[hbm4b:s3+s9] =	stream.strided.scatter [tilespmem:s2], [sflag:$0x3], $0xF000, s15, s9, $0x38;
	[tilespmem:$0x1E000] =	vst v63  }
0x80: {  	_ =	swait.ge [sflag:s7], $0xF000  }
0x81: {  	[sflag:s7] =	ssyncset.done $0x0  }
0x82: {  	s3 =	rddreg [dreg:$0x6];
	[sflag:s7] =	ssyncadd.s32 $0xFFFF1000  }
0x83: {  	[tilespmem:s2], [sflag:$0x1] =	stream.strided.gather [hbm4b:s3+s9], $0xF000, s15, s9, $0x38;
	[tilespmem:$0x1E000] =	vst v63  }
0x84: {  	_ =	swait.ge [sflag:s20], $0xF000  }
0x85: {  	[sflag:s20] =	ssyncset.done $0x0  }
0x86: {  	s3 =	rddreg [dreg:$0x7];
	[sflag:s20] =	ssyncadd.s32 $0xFFFF1000  }
0x87: {  	[hbm4b:s3+s9] =	stream.strided.scatter [tilespmem:s17], [sflag:$0x4], $0xF000, s15, s9, $0x38;
	[tilespmem:$0x1E000] =	vst v63  }
0x88: {  	_ =	swait.ge [sflag:s12], $0xF000  }
0x89: {  	[sflag:s12] =	ssyncset.done $0x0  }
0x8a: {  	s3 =	rddreg [dreg:$0x8];
	[sflag:s12] =	ssyncadd.s32 $0xFFFF1000  }
0x8b: {  	[tilespmem:s17], [sflag:$0x2] =	stream.strided.gather [hbm4b:s3+s9], $0xF000, s15, s9, $0x38;
	[tilespmem:$0x1E000] =	vst v63  }
0x8c: {  	_ =	swait.ge [sflag:s13], $0xF000  }
0x8d: {  	[sflag:s13] =	ssyncset.done $0x0  }
0x8e: {  	[sflag:s13] =	ssyncadd.s32 $0xFFFF1000  }
0x8f: {  	[hbm4b:s28+s9] =	stream.strided.scatter [tilespmem:s2], [sflag:$0x3], $0xF000, s15, s9, $0x38;
	[tilespmem:$0x1E000] =	vst v63  }
0x90: {  	_ =	swait.ge [sflag:s7], $0xF000  }
0x91: {  	[sflag:s7] =	ssyncset.done $0x0  }
0x92: {  	s4 =	smov.u32 s6;
	s6 =	smov.u32 s10;
	[sflag:s7] =	ssyncadd.s32 $0xFFFF1000  }
0x93: {  	[tilespmem:s2], [sflag:$0x1] =	stream.strided.gather [hbm4b:s26+s9], $0xF000, s15, s9, $0x38;
	[tilespmem:$0x1E000] =	vst v63  }
0x94: {  	s10 =	smov.u32 s14;
	s14 =	smov.u32 s18;
	_ =	swait.ge [sflag:s20], $0xF000  }
0x95: {  	s18 =	smov.u32 s21;
	s21 =	smov.u32 s23;
	[sflag:s20] =	ssyncset.done $0x0  }
0x96: {  	s23 =	smov.u32 s25;
	s3 =	smov.u32 s5;
	[sflag:s20] =	ssyncadd.s32 $0xFFFF1000  }
0x97: {  	[hbm4b:s23+s9] =	stream.strided.scatter [tilespmem:s17], [sflag:$0x4], $0xF000, s15, s9, $0x38;
	[tilespmem:$0x1E000] =	vst v63  }
0x98: {  	s5 =	smov.u32 s8;
	s8 =	smov.u32 s11;
	_ =	swait.ge [sflag:s12], $0xF000  }
0x99: {  	s11 =	smov.u32 s16;
	s16 =	smov.u32 s19;
	[sflag:s12] =	ssyncset.done $0x0  }
0x9a: {  	s19 =	smov.u32 s22;
	s22 =	smov.u32 s24;
	[sflag:s12] =	ssyncadd.s32 $0xFFFF1000  }
0x9b: {  	[tilespmem:s17], [sflag:$0x2] =	stream.strided.gather [hbm4b:s22+s9], $0xF000, s15, s9, $0x38;
	[tilespmem:$0x1E000] =	vst v63  }
0x9c: {  	_ =	swait.ge [sflag:s13], $0xF000  }
0x9d: {  	[sflag:s13] =	ssyncset.done $0x0  }
0x9e: {  	[sflag:s13] =	ssyncadd.s32 $0xFFFF1000  }
0x9f: {  	[hbm4b:s21+s9] =	stream.strided.scatter [tilespmem:s2], [sflag:$0x3], $0xF000, s15, s9, $0x38;
	[tilespmem:$0x1E000] =	vst v63  }
0xa0: {  	_ =	swait.ge [sflag:s7], $0xF000  }
0xa1: {  	[sflag:s7] =	ssyncset.done $0x0  }
0xa2: {  	[sflag:s7] =	ssyncadd.s32 $0xFFFF1000  }
0xa3: {  	[tilespmem:s2], [sflag:$0x1] =	stream.strided.gather [hbm4b:s19+s9], $0xF000, s15, s9, $0x38;
	[tilespmem:$0x1E000] =	vst v63  }
0xa4: {  	_ =	swait.ge [sflag:s20], $0xF000  }
0xa5: {  	[sflag:s20] =	ssyncset.done $0x0  }
0xa6: {  	[sflag:s20] =	ssyncadd.s32 $0xFFFF1000  }
0xa7: {  	[hbm4b:s18+s9] =	stream.strided.scatter [tilespmem:s17], [sflag:$0x4], $0xF000, s15, s9, $0x38;
	[tilespmem:$0x1E000] =	vst v63  }
0xa8: {  	_ =	swait.ge [sflag:s12], $0xF000  }
0xa9: {  	[sflag:s12] =	ssyncset.done $0x0  }
0xaa: {  	[sflag:s12] =	ssyncadd.s32 $0xFFFF1000  }
0xab: {  	[tilespmem:s17], [sflag:$0x2] =	stream.strided.gather [hbm4b:s16+s9], $0xF000, s15, s9, $0x38;
	[tilespmem:$0x1E000] =	vst v63  }
0xac: {  	_ =	swait.ge [sflag:s13], $0xF000  }
0xad: {  	[sflag:s13] =	ssyncset.done $0x0  }
0xae: {  	[sflag:s13] =	ssyncadd.s32 $0xFFFF1000  }
0xaf: {  	[hbm4b:s14+s9] =	stream.strided.scatter [tilespmem:s2], [sflag:$0x3], $0xF000, s15, s9, $0x38;
	[tilespmem:$0x1E000] =	vst v63  }
0xb0: {  	_ =	swait.ge [sflag:s7], $0xF000  }
0xb1: {  	[sflag:s7] =	ssyncset.done $0x0  }
0xb2: {  	[sflag:s7] =	ssyncadd.s32 $0xFFFF1000  }
0xb3: {  	[tilespmem:s2], [sflag:$0x1] =	stream.linear.gather [hbm4b:s11+s2], $0x1000, $0x38;
	[tilespmem:$0x1E000] =	vst v63  }
0xb4: {  	s25 =	smov.u32 s28;
	s28 =	rddreg [dreg:$0x9]  }
0xb5: {  	[tilespmem:s9], [sflag:$0x1] =	stream.linear.gather [hbm4b:s28+s2], $0x1000, $0x38;
	[tilespmem:$0x1E000] =	vst v63  }
0xb6: {  	_ =	swait.ge [sflag:s20], $0xF000  }
0xb7: {  	[sflag:s20] =	ssyncset.done $0x0  }
0xb8: {  	[sflag:s20] =	ssyncadd.s32 $0xFFFF1000  }
0xb9: {  	[hbm4b:s8+s9] =	stream.strided.scatter [tilespmem:s17], [sflag:$0x4], $0xF000, s15, s9, $0x38;
	[tilespmem:$0x1E000] =	vst v63  }
0xba: {  	_ =	swait.ge [sflag:s13], $0x2000  }
0xbb: {  	[sflag:s13] =	ssyncset.done $0x0  }
0xbc: {  	[sflag:s13] =	ssyncadd.s32 $0xFFFFE000  }
0xbd: {  	[hbm4b:s6+s2] =	stream.linear.scatter [tilespmem:s2], [sflag:$0x3], $0x1000, $0x38;
	[tilespmem:$0x1E000] =	vst v63  }
0xbe: {  	s28 =	rddreg [dreg:$0xa]  }
0xbf: {  	[hbm4b:s28+s2] =	stream.linear.scatter [tilespmem:s9], [sflag:$0x3], $0x1000, $0x38;
	[tilespmem:$0x1E000] =	vst v63  }
0xc0: {  	_ =	swait.ge [sflag:s12], $0xF000  }
0xc1: {  	[sflag:s12] =	ssyncset.done $0x0  }
0xc2: {  	[sflag:s12] =	ssyncadd.s32 $0xFFFF1000  }
0xc3: {  	_ =	swait.ge [sflag:s7], $0x2000  }
0xc4: {  	[sflag:s7] =	ssyncset.done $0x0  }
0xc5: {  	[sflag:s7] =	ssyncadd.s32 $0xFFFFE000  }
0xc6: {  	[tilespmem:s29], [sflag:$0x1] =	stream.linear.gather @!p0 [hbm4b:s4+s29], $0x400, $0x38;
	[tilespmem:$0x1E000] =	vst v63  }
0xc7: {  	_ = 	snop  }
0xc8: {  	[tilespmem:s31], [sflag:$0x1] =	stream.linear.gather @!p0 [hbm4b:s10+s29], $0x400, $0x38;
	[tilespmem:$0x1E000] =	vst v63  }
0xc9: {  	_ =	swait.ge @!p0 [sflag:s1], $0x800  }
0xca: {  	s0 =	sadd.s32 $0xFFFFFFFF, s0;
	[sflag:s1] =	ssyncset.done @!p0 $0x0  }
0xcb: {  	p2 =	sne.s32 s0, $0x0;
	[sflag:s1] =	ssyncadd.s32 @!p0 $0xFFFFF800  }
0xcc: {  	[hbm4b:s3+s29] =	stream.linear.scatter @!p0 [tilespmem:s29], [sflag:$0x3], $0x400, $0x38;
	[tilespmem:$0x1E000] =	vst v63  }
.Ltmp2:
0xcd: {  	_ = 	snop;
	(pc) =	sbr.rel @p2 .LBB2_3-.Ltmp2, $4  }
0xce: {  	_ = 	snop  }
0xcf: {  	[hbm4b:s5+s29] =	stream.linear.scatter @!p0 [tilespmem:s31], [sflag:$0x3], $0x400, $0x38;
	[tilespmem:$0x1E000] =	vst v63  }
0xd0: {  	_ =	swait.ge @!p0 [sflag:s30], $0x800  }
0xd1: {  	s24 =	smov.u32 s26;
	[sflag:s30] =	ssyncset.done @!p0 $0x0  }
0xd2: {  	s26 =	stileid.u32;
	s28 =	rddreg [dreg:$0x2]  }
.LBB2_5:
0xd3: {  	p1 =	por p0, !p1  }
0xd4: {  	s0 =	rddreg [dreg:$0x3];
	[sflag:s30] =	ssyncadd.s32 @!p1 $0xFFFFF800  }
0xd5: {  	[tilespmem:s2], [sflag:$0x1] =	stream.strided.gather [hbm4b:s0+s9], $0xF000, s15, s9, $0x38;
	[tilespmem:$0x1E000] =	vst v63  }
0xd6: {  	s1 =	rddreg [dreg:$0x4]  }
0xd7: {  	[tilespmem:s17], [sflag:$0x2] =	stream.strided.gather [hbm4b:s1+s9], $0xF000, s15, s9, $0x38;
	[tilespmem:$0x1E000] =	vst v63  }
0xd8: {  	_ =	swait.ge [sflag:s13], $0xF000  }
0xd9: {  	[sflag:s13] =	ssyncset.done $0x0  }
0xda: {  	s30 =	rddreg [dreg:$0x5];
	[sflag:s13] =	ssyncadd.s32 $0xFFFF1000  }
0xdb: {  	[hbm4b:s30+s9] =	stream.strided.scatter [tilespmem:s2], [sflag:$0x3], $0xF000, s15, s9, $0x38;
	[tilespmem:$0x1E000] =	vst v63  }
0xdc: {  	_ =	swait.ge [sflag:s7], $0xF000  }
0xdd: {  	[sflag:s7] =	ssyncset.done $0x0  }
0xde: {  	s31 =	rddreg [dreg:$0x6];
	[sflag:s7] =	ssyncadd.s32 $0xFFFF1000  }
0xdf: {  	[tilespmem:s2], [sflag:$0x1] =	stream.strided.gather [hbm4b:s31+s9], $0xF000, s15, s9, $0x38;
	[tilespmem:$0x1E000] =	vst v63  }
0xe0: {  	_ =	swait.ge [sflag:s20], $0xF000  }
0xe1: {  	[sflag:s20] =	ssyncset.done $0x0  }
0xe2: {  	s1 =	rddreg [dreg:$0x7];
	[sflag:s20] =	ssyncadd.s32 $0xFFFF1000  }
0xe3: {  	[hbm4b:s1+s9] =	stream.strided.scatter [tilespmem:s17], [sflag:$0x4], $0xF000, s15, s9, $0x38;
	[tilespmem:$0x1E000] =	vst v63  }
0xe4: {  	_ =	swait.ge [sflag:s12], $0xF000  }
0xe5: {  	[sflag:s12] =	ssyncset.done $0x0  }
0xe6: {  	s29 =	rddreg [dreg:$0x8];
	[sflag:s12] =	ssyncadd.s32 $0xFFFF1000  }
0xe7: {  	[tilespmem:s17], [sflag:$0x2] =	stream.strided.gather [hbm4b:s29+s9], $0xF000, s15, s9, $0x38;
	[tilespmem:$0x1E000] =	vst v63  }
0xe8: {  	_ =	swait.ge [sflag:s13], $0xF000  }
0xe9: {  	[sflag:s13] =	ssyncset.done $0x0  }
0xea: {  	[sflag:s13] =	ssyncadd.s32 $0xFFFF1000  }
0xeb: {  	[hbm4b:s25+s9] =	stream.strided.scatter [tilespmem:s2], [sflag:$0x3], $0xF000, s15, s9, $0x38;
	[tilespmem:$0x1E000] =	vst v63  }
0xec: {  	_ =	swait.ge [sflag:s7], $0xF000  }
0xed: {  	[sflag:s7] =	ssyncset.done $0x0  }
0xee: {  	[sflag:s7] =	ssyncadd.s32 $0xFFFF1000  }
0xef: {  	[tilespmem:s2], [sflag:$0x1] =	stream.strided.gather [hbm4b:s24+s9], $0xF000, s15, s9, $0x38;
	[tilespmem:$0x1E000] =	vst v63  }
0xf0: {  	_ =	swait.ge [sflag:s20], $0xF000  }
0xf1: {  	[sflag:s20] =	ssyncset.done $0x0  }
0xf2: {  	[sflag:s20] =	ssyncadd.s32 $0xFFFF1000  }
0xf3: {  	[hbm4b:s23+s9] =	stream.strided.scatter [tilespmem:s17], [sflag:$0x4], $0xF000, s15, s9, $0x38;
	[tilespmem:$0x1E000] =	vst v63  }
0xf4: {  	_ =	swait.ge [sflag:s12], $0xF000  }
0xf5: {  	[sflag:s12] =	ssyncset.done $0x0  }
0xf6: {  	[sflag:s12] =	ssyncadd.s32 $0xFFFF1000  }
0xf7: {  	[tilespmem:s17], [sflag:$0x2] =	stream.strided.gather [hbm4b:s22+s9], $0xF000, s15, s9, $0x38;
	[tilespmem:$0x1E000] =	vst v63  }
0xf8: {  	_ =	swait.ge [sflag:s13], $0xF000  }
0xf9: {  	[sflag:s13] =	ssyncset.done $0x0  }
0xfa: {  	[sflag:s13] =	ssyncadd.s32 $0xFFFF1000  }
0xfb: {  	[hbm4b:s21+s9] =	stream.strided.scatter [tilespmem:s2], [sflag:$0x3], $0xF000, s15, s9, $0x38;
	[tilespmem:$0x1E000] =	vst v63  }
0xfc: {  	_ =	swait.ge [sflag:s7], $0xF000  }
0xfd: {  	[sflag:s7] =	ssyncset.done $0x0  }
0xfe: {  	[sflag:s7] =	ssyncadd.s32 $0xFFFF1000  }
0xff: {  	[tilespmem:s2], [sflag:$0x1] =	stream.strided.gather [hbm4b:s19+s9], $0xF000, s15, s9, $0x38;
	[tilespmem:$0x1E000] =	vst v63  }
0x100: {  	_ =	swait.ge [sflag:s20], $0xF000  }
0x101: {  	[sflag:s20] =	ssyncset.done $0x0  }
0x102: {  	[sflag:s20] =	ssyncadd.s32 $0xFFFF1000  }
0x103: {  	[hbm4b:s18+s9] =	stream.strided.scatter [tilespmem:s17], [sflag:$0x4], $0xF000, s15, s9, $0x38;
	[tilespmem:$0x1E000] =	vst v63  }
0x104: {  	_ =	swait.ge [sflag:s12], $0xF000  }
0x105: {  	[sflag:s12] =	ssyncset.done $0x0  }
0x106: {  	[sflag:s12] =	ssyncadd.s32 $0xFFFF1000  }
0x107: {  	[tilespmem:s17], [sflag:$0x2] =	stream.strided.gather [hbm4b:s16+s9], $0xF000, s15, s9, $0x38;
	[tilespmem:$0x1E000] =	vst v63  }
0x108: {  	_ =	swait.ge [sflag:s13], $0xF000  }
0x109: {  	[sflag:s13] =	ssyncset.done $0x0  }
0x10a: {  	[sflag:s13] =	ssyncadd.s32 $0xFFFF1000  }
0x10b: {  	[hbm4b:s14+s9] =	stream.strided.scatter [tilespmem:s2], [sflag:$0x3], $0xF000, s15, s9, $0x38;
	[tilespmem:$0x1E000] =	vst v63  }
0x10c: {  	_ =	swait.ge [sflag:s7], $0xF000  }
0x10d: {  	[sflag:s7] =	ssyncset.done $0x0  }
0x10e: {  	[sflag:s7] =	ssyncadd.s32 $0xFFFF1000  }
0x10f: {  	[tilespmem:s2], [sflag:$0x1] =	stream.linear.gather [hbm4b:s11+s2], $0x1000, $0x38;
	[tilespmem:$0x1E000] =	vst v63  }
0x110: {  	s30 =	sadd.s32 $0xF4280, s11  }
0x111: {  	[tilespmem:s9], [sflag:$0x1] =	stream.linear.gather [hbm4b:s30+s2], $0x1000, $0x38;
	[tilespmem:$0x1E000] =	vst v63  }
0x112: {  	_ =	swait.ge [sflag:s20], $0xF000  }
0x113: {  	[sflag:s20] =	ssyncset.done $0x0  }
0x114: {  	[sflag:s20] =	ssyncadd.s32 $0xFFFF1000  }
0x115: {  	[hbm4b:s8+s9] =	stream.strided.scatter [tilespmem:s17], [sflag:$0x4], $0xF000, s15, s9, $0x38;
	[tilespmem:$0x1E000] =	vst v63  }
0x116: {  	_ =	swait.ge [sflag:s13], $0x2000  }
0x117: {  	[sflag:s13] =	ssyncset.done $0x0  }
0x118: {  	[sflag:s13] =	ssyncadd.s32 $0xFFFFE000  }
0x119: {  	[hbm4b:s6+s2] =	stream.linear.scatter [tilespmem:s2], [sflag:$0x3], $0x1000, $0x38;
	[tilespmem:$0x1E000] =	vst v63  }
0x11a: {  	s31 =	sadd.s32 $0xF4280, s6  }
0x11b: {  	[hbm4b:s31+s2] =	stream.linear.scatter [tilespmem:s9], [sflag:$0x3], $0x1000, $0x38;
	[tilespmem:$0x1E000] =	vst v63  }
0x11c: {  	_ =	swait.ge [sflag:s12], $0xF000  }
0x11d: {  	[sflag:s12] =	ssyncset.done $0x0  }
0x11e: {  	[sflag:s12] =	ssyncadd.s32 $0xFFFF1000  }
0x11f: {  	_ =	swait.ge [sflag:s7], $0x2000  }
0x120: {  	[sflag:s7] =	ssyncset.done $0x0  }
0x121: {  	s0 =	simm.s32 @!p0 $0x0;
	[sflag:s7] =	ssyncadd.s32 $0xFFFFE000  }
0x122: {  	[tilespmem:s0], [sflag:$0x1] =	stream.linear.gather @!p0 [hbm4b:s4+s0], $0x400, $0x38;
	[tilespmem:$0x1E000] =	vst v63  }
0x123: {  	s1 =	simm.s32 @!p0 $0x7800;
	s2 =	simm.s32 @!p0 $0x1  }
0x124: {  	[tilespmem:s1], [sflag:$0x1] =	stream.linear.gather @!p0 [hbm4b:s10+s0], $0x400, $0x38;
	[tilespmem:$0x1E000] =	vst v63  }
0x125: {  	_ =	swait.ge @!p0 [sflag:s2], $0x800  }
0x126: {  	[sflag:s2] =	ssyncset.done @!p0 $0x0  }
0x127: {  	[sflag:s2] =	ssyncadd.s32 @!p0 $0xFFFFF800  }
0x128: {  	[hbm4b:s3+s0] =	stream.linear.scatter @!p0 [tilespmem:s0], [sflag:$0x3], $0x400, $0x38;
	[tilespmem:$0x1E000] =	vst v63  }
0x129: {  	_ = 	snop  }
0x12a: {  	[hbm4b:s5+s0] =	stream.linear.scatter @!p0 [tilespmem:s1], [sflag:$0x3], $0x400, $0x38;
	[tilespmem:$0x1E000] =	vst v63  }
0x12b: {  	s0 =	simm.s32 @!p0 $0x3  }
0x12c: {  	_ =	swait.ge @!p0 [sflag:s0], $0x800  }
0x12d: {  	[sflag:s0] =	ssyncset.done @!p0 $0x0  }
0x12e: {  	[sflag:s0] =	ssyncadd.s32 @!p0 $0xFFFFF800  }
0x12f: {  	_ =	sfence.sel $0x180000  }
0x130: {  	[bflag:$0x0] =	sbarrier.arrive $0xFFFF  }
0x131: {  	p0 =	sne.s32 s26, $0x0;
	_ =	strace $0x90000047  }
0x132: {  	s0 =	sadd.s32 @!p0 $0x100000, s28;
	[bflag:$0x2] =	sbarrier.arrive $0xFFFF  }
0x133: {  	[sflag:s0] =	ssyncadd.tile.s32 @!p0 $0x1;
	_ =	shalt  }
.LBB2_2:
.Ltmp3:
0x134: {  	(pc) =	sbr.rel .LBB2_5-.Ltmp3, $2  }
0x135: {  	_ =	sdelay $0x2  }
0x136: {  	s26 =	stileid.u32;
	s28 =	rddreg [dreg:$0x2]  }
.Lfunc_end2:
_tile_overlayer_lowered:
.L_overlay_start_2:
0x137: {  	(tag) =	ssettag $0x2  }
0x138: {  	s0 =	rddreg [dreg:$0x0];
	s2 =	stileid.u32  }
0x139: {  	s1 =	rddreg [dreg:$0x1];
	p0 =	sne.s32 s2, $0x0  }
0x13a: {  	s3 =	rddreg [dreg:$0x2];
	[bflag:$0x3] =	sbarrier.arrive $0xFFFF;
	s2 =	simm.s32 @!p0 $0x1C05  }
0x13b: {  	[timem:s3], [sflag:s2] =	dma.local @!p0 [hbm:s0], s1  }
0x13c: {  	s0 =	simm.s32 @!p0 $0x5  }
0x13d: {  	_ =	swait.ge @!p0 [sflag:s0], s1  }
0x13e: {  	s1 =	ssub.s32 @!p0 $0x0, s1;
	[sflag:s0] =	ssyncset.done @!p0 $0x0  }
0x13f: {  	[sflag:s0] =	ssyncadd.s32 @!p0 s1  }
0x140: {  	[bflag:$0x3] =	sbarrier.arrive $0xFFFF  }
0x141: {  	_ =	shalt  }

</sc_bundles>
